<compile_context>
chip_gen: v7x
topology: tpu7x:2x2x1
jax: 0.10.2.dev20260603
libtpu: 0.0.44.dev20260713+nightly
codegen_flags: <defaults>
</compile_context>

<pallas_src>
import jax
import jax.numpy as jnp
from jax import lax
from jax.experimental import pallas as pl
from jax.experimental.pallas import tpu as pltpu
from jax.experimental.pallas import tpu_sc as plsc

L_SEQ = 200
B_SEQ = 4096
D = 64
DP = 128
VOCAB = 1000000
N_TOTAL = L_SEQ * B_SEQ
NC, NS = 2, 16
NW = NC * NS
IDX_MINOR = 128
K = 4
N_CHUNKS = L_SEQ // K
NBUF = 2
N_GROUPS = N_CHUNKS // NBUF


def _emb_kernel(idx_hbm, table_hbm, out_hbm, idx_all, r0, r1, g0, g1, o0, o1):
    rows = [r0, r1]
    gsem = [g0, g1]
    osem = [o0, o1]
    wid = lax.axis_index("s") * NC + lax.axis_index("c")
    col0 = wid * IDX_MINOR

    pltpu.sync_copy(idx_hbm.at[pl.ds(0, L_SEQ), pl.ds(col0, IDX_MINOR)], idx_all)

    def fire(c, b):
        for j in range(K):
            pltpu.async_copy(
                table_hbm.at[idx_all.at[c * K + j]],
                rows[b].at[j],
                gsem[b],
            )

    def wait_gathers(b):
        pltpu.make_async_copy(
            out_hbm.at[pl.ds(0, K * IDX_MINOR), pl.ds(0, D)], rows[b], gsem[b]
        ).wait()

    def start_out(c, b):
        for j in range(K):
            pltpu.async_copy(
                rows[b].at[j],
                out_hbm.at[pl.ds((c * K + j) * B_SEQ + col0, IDX_MINOR), pl.ds(0, D)],
                osem[b],
            )

    def wait_out(b):
        pltpu.make_async_copy(
            rows[b], out_hbm.at[pl.ds(0, K * IDX_MINOR), pl.ds(0, D)], osem[b]
        ).wait()

    for b in range(NBUF):
        fire(b, b)

    @pl.loop(0, N_GROUPS)
    def _group(g):
        for b in range(NBUF):
            c = g * NBUF + b
            wait_gathers(b)
            start_out(c, b)
        for b in range(NBUF):
            cn = g * NBUF + b + NBUF

            @pl.when(cn < N_CHUNKS)
            def _():
                wait_out(b)
                fire(cn, b)

    for b in range(NBUF):
        wait_out(b)


def kernel(sequence, W):
    W_pad = jnp.pad(jax.lax.optimization_barrier(W), ((0, 0), (0, DP - D)))
    W2 = W_pad.reshape(2 * VOCAB, D)
    seq2 = sequence * 2
    mesh = plsc.VectorSubcoreMesh(core_axis_name="c", subcore_axis_name="s")
    out_pad = pl.kernel(
        _emb_kernel,
        out_type=jax.ShapeDtypeStruct((N_TOTAL, DP), jnp.float32),
        mesh=mesh,
        scratch_types=[
            pltpu.VMEM((L_SEQ, IDX_MINOR), jnp.int32),
            pltpu.VMEM((K, IDX_MINOR, D), jnp.float32),
            pltpu.VMEM((K, IDX_MINOR, D), jnp.float32),
            pltpu.SemaphoreType.DMA,
            pltpu.SemaphoreType.DMA,
            pltpu.SemaphoreType.DMA,
            pltpu.SemaphoreType.DMA,
        ],
        compiler_params=pltpu.CompilerParams(use_tc_tiling_on_sc=False),
    )(seq2, W2)
    return out_pad[:, :D].reshape(L_SEQ, B_SEQ, D)

# --- scband reference (transcript-rebuilt; emitter-appended) ---
"""Pipeline reference for scband-word-emb-59322088292711 (READ-ONLY COPY).

The authoritative reference and input builder live on the scoring server;
editing this copy changes nothing except your own understanding.
"""

import jax, jax.numpy as jnp
import numpy as np

VOCAB_SIZE = 1000000
D_MODEL = 64
L = 200
B = 4096

def setup_inputs(seed: int = 0) -> dict:
    key = jax.random.key(seed)
    k1, k2 = jax.random.split(key)
    sequence = jax.random.randint(k1, (L, B), 0, VOCAB_SIZE, dtype=jnp.int64 if jax.config.jax_enable_x64 else jnp.int32)
    # learned embedding table (nn.Embedding default init ~ N(0,1))
    W = jax.random.normal(k2, (VOCAB_SIZE, D_MODEL), dtype=jnp.float32)
    return {"sequence": sequence, "W": W}

def reference(sequence, W):
    # nn.Embedding forward: gather rows of the table by index
    return jnp.take(W, sequence, axis=0)

if __name__ == "__main__":
    import jax
    _d = setup_inputs()
    print(jax.jit(kernel)(*tuple(_d.values())))

</pallas_src>

<mosaic_0001>
#map = affine_map<(d0, d1) -> (0, 0)>
module attributes {stable_mosaic.version = 14 : i64} {
  func.func @_emb_kernel(%arg0: i32, %arg1: i32, %arg2: memref<200x4096xi32, #tpu.memory_space<hbm>>, %arg3: memref<2000000x64xf32, #tpu.memory_space<hbm>>, %arg4: memref<819200x128xf32, #tpu.memory_space<hbm>>, %arg5: memref<200x128xi32, #tpu.memory_space<vmem>>, %arg6: memref<4x128x64xf32, #tpu.memory_space<vmem>>, %arg7: memref<4x128x64xf32, #tpu.memory_space<vmem>>, %arg8: memref<!tpu.dma_semaphore, #tpu.memory_space<semaphore_mem>>, %arg9: memref<!tpu.dma_semaphore, #tpu.memory_space<semaphore_mem>>, %arg10: memref<!tpu.dma_semaphore, #tpu.memory_space<semaphore_mem>>, %arg11: memref<!tpu.dma_semaphore, #tpu.memory_space<semaphore_mem>>) attributes {dimension_semantics = [#tpu.dimension_semantics<core_parallel>, #tpu.dimension_semantics<subcore_parallel>], iteration_bounds = array<i64: 2, 16>, scalar_prefetch = 0 : i64, scratch_operands = 7 : i64, tpu.core_type = #tpu.core_type<sc_vector_subcore>, window_params = [{transform_indices = #map}, {transform_indices = #map}, {transform_indices = #map}]} {
    %mul3A = arith.constant 2 : i32
    %mul3A_0 = arith.muli %arg1, %mul3A : i32
    %add3A = arith.addi %mul3A_0, %arg0 : i32
    %mul3A_1 = arith.constant 128 : i32
    %mul3A_2 = arith.muli %add3A, %mul3A_1 : i32
    "tpu.region"() ({
      %run_scoped3A = tpu.sem_alloc : memref<!tpu.dma_semaphore, #tpu.memory_space<semaphore_mem>>
      %dma_start3A_113 = arith.constant 0 : i32
      %dma_start3A_114 = tpu.memref_slice %arg2[%dma_start3A_113, %mul3A_2] : memref<200x4096xi32, #tpu.memory_space<hbm>> -> memref<200x128xi32, #tpu.memory_space<hbm>>
      %dma_start3A_115 = arith.constant 0 : i32
      %dma_start3A_116 = tpu.memref_slice %arg2[%dma_start3A_115, %mul3A_2] : memref<200x4096xi32, #tpu.memory_space<hbm>> -> memref<200x128xi32, #tpu.memory_space<hbm>>
      tpu.enqueue_dma source(%dma_start3A_116 : memref<200x128xi32, #tpu.memory_space<hbm>>) target(%arg5 : memref<200x128xi32, #tpu.memory_space<vmem>>) target_semaphore(%run_scoped3A : memref<!tpu.dma_semaphore, #tpu.memory_space<semaphore_mem>>)
      %dma_wait3A_117 = arith.constant 0 : i32
      %dma_wait3A_118 = tpu.memref_slice %arg2[%dma_wait3A_117, %mul3A_2] : memref<200x4096xi32, #tpu.memory_space<hbm>> -> memref<200x128xi32, #tpu.memory_space<hbm>>
      %dma_wait3A_119 = arith.constant 0 : i32
      %dma_wait3A_120 = tpu.memref_slice %arg2[%dma_wait3A_119, %mul3A_2] : memref<200x4096xi32, #tpu.memory_space<hbm>> -> memref<200x128xi32, #tpu.memory_space<hbm>>
      tpu.wait_dma2 semaphore(%run_scoped3A : memref<!tpu.dma_semaphore, #tpu.memory_space<semaphore_mem>>) src(%dma_wait3A_120 : memref<200x128xi32, #tpu.memory_space<hbm>>) dst(%arg5 : memref<200x128xi32, #tpu.memory_space<vmem>>)
      tpu.yield
    }) : () -> ()
    %dma_start3A = arith.constant 0 : i32
    %dma_start3A_3 = arith.constant 0 : i32
    %dma_start3A_4 = arith.constant 0 : i32
    %dma_start3A_5 = arith.constant 0 : i32
    %dma_start3A_6 = tpu.memref_slice %arg6[%dma_start3A_3, %dma_start3A_4, %dma_start3A_5] : memref<4x128x64xf32, #tpu.memory_space<vmem>> -> memref<1x128x64xf32, #tpu.memory_space<vmem>>
    %dma_start3A_7 = tpu.memref_squeeze %dma_start3A_6 : memref<1x128x64xf32, #tpu.memory_space<vmem>> -> memref<128x64xf32, #tpu.memory_space<vmem>>
    %dma_start3A_8 = arith.constant 0 : i32
    %dma_start3A_9 = tpu.memref_slice %arg5[%dma_start3A, %dma_start3A_8] : memref<200x128xi32, #tpu.memory_space<vmem>> -> memref<1x128xi32, #tpu.memory_space<vmem>>
    %dma_start3A_10 = tpu.memref_squeeze %dma_start3A_9 : memref<1x128xi32, #tpu.memory_space<vmem>> -> memref<128xi32, #tpu.memory_space<vmem>>
    %dma_start3A_11 = arith.constant 0 : i32
    %dma_start3A_12 = arith.constant 0 : i32
    %dma_start3A_13 = tpu.memref_slice %arg3[%dma_start3A_11, %dma_start3A_12] : memref<2000000x64xf32, #tpu.memory_space<hbm>> -> memref<2000000x64xf32, #tpu.memory_space<hbm>>
    tpu.enqueue_indirect_dma source(%dma_start3A_13 : memref<2000000x64xf32, #tpu.memory_space<hbm>>) target(%dma_start3A_7 : memref<128x64xf32, #tpu.memory_space<vmem>>) offsets(%dma_start3A_10 : memref<128xi32, #tpu.memory_space<vmem>>) semaphore(%arg8 : memref<!tpu.dma_semaphore, #tpu.memory_space<semaphore_mem>>)
    %dma_start3A_14 = arith.constant 1 : i32
    %dma_start3A_15 = arith.constant 1 : i32
    %dma_start3A_16 = arith.constant 0 : i32
    %dma_start3A_17 = arith.constant 0 : i32
    %dma_start3A_18 = tpu.memref_slice %arg6[%dma_start3A_15, %dma_start3A_16, %dma_start3A_17] : memref<4x128x64xf32, #tpu.memory_space<vmem>> -> memref<1x128x64xf32, #tpu.memory_space<vmem>>
    %dma_start3A_19 = tpu.memref_squeeze %dma_start3A_18 : memref<1x128x64xf32, #tpu.memory_space<vmem>> -> memref<128x64xf32, #tpu.memory_space<vmem>>
    %dma_start3A_20 = arith.constant 0 : i32
    %dma_start3A_21 = tpu.memref_slice %arg5[%dma_start3A_14, %dma_start3A_20] : memref<200x128xi32, #tpu.memory_space<vmem>> -> memref<1x128xi32, #tpu.memory_space<vmem>>
    %dma_start3A_22 = tpu.memref_squeeze %dma_start3A_21 : memref<1x128xi32, #tpu.memory_space<vmem>> -> memref<128xi32, #tpu.memory_space<vmem>>
    %dma_start3A_23 = arith.constant 0 : i32
    %dma_start3A_24 = arith.constant 0 : i32
    %dma_start3A_25 = tpu.memref_slice %arg3[%dma_start3A_23, %dma_start3A_24] : memref<2000000x64xf32, #tpu.memory_space<hbm>> -> memref<2000000x64xf32, #tpu.memory_space<hbm>>
    tpu.enqueue_indirect_dma source(%dma_start3A_25 : memref<2000000x64xf32, #tpu.memory_space<hbm>>) target(%dma_start3A_19 : memref<128x64xf32, #tpu.memory_space<vmem>>) offsets(%dma_start3A_22 : memref<128xi32, #tpu.memory_space<vmem>>) semaphore(%arg8 : memref<!tpu.dma_semaphore, #tpu.memory_space<semaphore_mem>>)
    %dma_start3A_26 = arith.constant 2 : i32
    %dma_start3A_27 = arith.constant 2 : i32
    %dma_start3A_28 = arith.constant 0 : i32
    %dma_start3A_29 = arith.constant 0 : i32
    %dma_start3A_30 = tpu.memref_slice %arg6[%dma_start3A_27, %dma_start3A_28, %dma_start3A_29] : memref<4x128x64xf32, #tpu.memory_space<vmem>> -> memref<1x128x64xf32, #tpu.memory_space<vmem>>
    %dma_start3A_31 = tpu.memref_squeeze %dma_start3A_30 : memref<1x128x64xf32, #tpu.memory_space<vmem>> -> memref<128x64xf32, #tpu.memory_space<vmem>>
    %dma_start3A_32 = arith.constant 0 : i32
    %dma_start3A_33 = tpu.memref_slice %arg5[%dma_start3A_26, %dma_start3A_32] : memref<200x128xi32, #tpu.memory_space<vmem>> -> memref<1x128xi32, #tpu.memory_space<vmem>>
    %dma_start3A_34 = tpu.memref_squeeze %dma_start3A_33 : memref<1x128xi32, #tpu.memory_space<vmem>> -> memref<128xi32, #tpu.memory_space<vmem>>
    %dma_start3A_35 = arith.constant 0 : i32
    %dma_start3A_36 = arith.constant 0 : i32
    %dma_start3A_37 = tpu.memref_slice %arg3[%dma_start3A_35, %dma_start3A_36] : memref<2000000x64xf32, #tpu.memory_space<hbm>> -> memref<2000000x64xf32, #tpu.memory_space<hbm>>
    tpu.enqueue_indirect_dma source(%dma_start3A_37 : memref<2000000x64xf32, #tpu.memory_space<hbm>>) target(%dma_start3A_31 : memref<128x64xf32, #tpu.memory_space<vmem>>) offsets(%dma_start3A_34 : memref<128xi32, #tpu.memory_space<vmem>>) semaphore(%arg8 : memref<!tpu.dma_semaphore, #tpu.memory_space<semaphore_mem>>)
    %dma_start3A_38 = arith.constant 3 : i32
    %dma_start3A_39 = arith.constant 3 : i32
    %dma_start3A_40 = arith.constant 0 : i32
    %dma_start3A_41 = arith.constant 0 : i32
    %dma_start3A_42 = tpu.memref_slice %arg6[%dma_start3A_39, %dma_start3A_40, %dma_start3A_41] : memref<4x128x64xf32, #tpu.memory_space<vmem>> -> memref<1x128x64xf32, #tpu.memory_space<vmem>>
    %dma_start3A_43 = tpu.memref_squeeze %dma_start3A_42 : memref<1x128x64xf32, #tpu.memory_space<vmem>> -> memref<128x64xf32, #tpu.memory_space<vmem>>
    %dma_start3A_44 = arith.constant 0 : i32
    %dma_start3A_45 = tpu.memref_slice %arg5[%dma_start3A_38, %dma_start3A_44] : memref<200x128xi32, #tpu.memory_space<vmem>> -> memref<1x128xi32, #tpu.memory_space<vmem>>
    %dma_start3A_46 = tpu.memref_squeeze %dma_start3A_45 : memref<1x128xi32, #tpu.memory_space<vmem>> -> memref<128xi32, #tpu.memory_space<vmem>>
    %dma_start3A_47 = arith.constant 0 : i32
    %dma_start3A_48 = arith.constant 0 : i32
    %dma_start3A_49 = tpu.memref_slice %arg3[%dma_start3A_47, %dma_start3A_48] : memref<2000000x64xf32, #tpu.memory_space<hbm>> -> memref<2000000x64xf32, #tpu.memory_space<hbm>>
    tpu.enqueue_indirect_dma source(%dma_start3A_49 : memref<2000000x64xf32, #tpu.memory_space<hbm>>) target(%dma_start3A_43 : memref<128x64xf32, #tpu.memory_space<vmem>>) offsets(%dma_start3A_46 : memref<128xi32, #tpu.memory_space<vmem>>) semaphore(%arg8 : memref<!tpu.dma_semaphore, #tpu.memory_space<semaphore_mem>>)
    %dma_start3A_50 = arith.constant 4 : i32
    %dma_start3A_51 = arith.constant 0 : i32
    %dma_start3A_52 = arith.constant 0 : i32
    %dma_start3A_53 = arith.constant 0 : i32
    %dma_start3A_54 = tpu.memref_slice %arg7[%dma_start3A_51, %dma_start3A_52, %dma_start3A_53] : memref<4x128x64xf32, #tpu.memory_space<vmem>> -> memref<1x128x64xf32, #tpu.memory_space<vmem>>
    %dma_start3A_55 = tpu.memref_squeeze %dma_start3A_54 : memref<1x128x64xf32, #tpu.memory_space<vmem>> -> memref<128x64xf32, #tpu.memory_space<vmem>>
    %dma_start3A_56 = arith.constant 0 : i32
    %dma_start3A_57 = tpu.memref_slice %arg5[%dma_start3A_50, %dma_start3A_56] : memref<200x128xi32, #tpu.memory_space<vmem>> -> memref<1x128xi32, #tpu.memory_space<vmem>>
    %dma_start3A_58 = tpu.memref_squeeze %dma_start3A_57 : memref<1x128xi32, #tpu.memory_space<vmem>> -> memref<128xi32, #tpu.memory_space<vmem>>
    %dma_start3A_59 = arith.constant 0 : i32
    %dma_start3A_60 = arith.constant 0 : i32
    %dma_start3A_61 = tpu.memref_slice %arg3[%dma_start3A_59, %dma_start3A_60] : memref<2000000x64xf32, #tpu.memory_space<hbm>> -> memref<2000000x64xf32, #tpu.memory_space<hbm>>
    tpu.enqueue_indirect_dma source(%dma_start3A_61 : memref<2000000x64xf32, #tpu.memory_space<hbm>>) target(%dma_start3A_55 : memref<128x64xf32, #tpu.memory_space<vmem>>) offsets(%dma_start3A_58 : memref<128xi32, #tpu.memory_space<vmem>>) semaphore(%arg9 : memref<!tpu.dma_semaphore, #tpu.memory_space<semaphore_mem>>)
    %dma_start3A_62 = arith.constant 5 : i32
    %dma_start3A_63 = arith.constant 1 : i32
    %dma_start3A_64 = arith.constant 0 : i32
    %dma_start3A_65 = arith.constant 0 : i32
    %dma_start3A_66 = tpu.memref_slice %arg7[%dma_start3A_63, %dma_start3A_64, %dma_start3A_65] : memref<4x128x64xf32, #tpu.memory_space<vmem>> -> memref<1x128x64xf32, #tpu.memory_space<vmem>>
    %dma_start3A_67 = tpu.memref_squeeze %dma_start3A_66 : memref<1x128x64xf32, #tpu.memory_space<vmem>> -> memref<128x64xf32, #tpu.memory_space<vmem>>
    %dma_start3A_68 = arith.constant 0 : i32
    %dma_start3A_69 = tpu.memref_slice %arg5[%dma_start3A_62, %dma_start3A_68] : memref<200x128xi32, #tpu.memory_space<vmem>> -> memref<1x128xi32, #tpu.memory_space<vmem>>
    %dma_start3A_70 = tpu.memref_squeeze %dma_start3A_69 : memref<1x128xi32, #tpu.memory_space<vmem>> -> memref<128xi32, #tpu.memory_space<vmem>>
    %dma_start3A_71 = arith.constant 0 : i32
    %dma_start3A_72 = arith.constant 0 : i32
    %dma_start3A_73 = tpu.memref_slice %arg3[%dma_start3A_71, %dma_start3A_72] : memref<2000000x64xf32, #tpu.memory_space<hbm>> -> memref<2000000x64xf32, #tpu.memory_space<hbm>>
    tpu.enqueue_indirect_dma source(%dma_start3A_73 : memref<2000000x64xf32, #tpu.memory_space<hbm>>) target(%dma_start3A_67 : memref<128x64xf32, #tpu.memory_space<vmem>>) offsets(%dma_start3A_70 : memref<128xi32, #tpu.memory_space<vmem>>) semaphore(%arg9 : memref<!tpu.dma_semaphore, #tpu.memory_space<semaphore_mem>>)
    %dma_start3A_74 = arith.constant 6 : i32
    %dma_start3A_75 = arith.constant 2 : i32
    %dma_start3A_76 = arith.constant 0 : i32
    %dma_start3A_77 = arith.constant 0 : i32
    %dma_start3A_78 = tpu.memref_slice %arg7[%dma_start3A_75, %dma_start3A_76, %dma_start3A_77] : memref<4x128x64xf32, #tpu.memory_space<vmem>> -> memref<1x128x64xf32, #tpu.memory_space<vmem>>
    %dma_start3A_79 = tpu.memref_squeeze %dma_start3A_78 : memref<1x128x64xf32, #tpu.memory_space<vmem>> -> memref<128x64xf32, #tpu.memory_space<vmem>>
    %dma_start3A_80 = arith.constant 0 : i32
    %dma_start3A_81 = tpu.memref_slice %arg5[%dma_start3A_74, %dma_start3A_80] : memref<200x128xi32, #tpu.memory_space<vmem>> -> memref<1x128xi32, #tpu.memory_space<vmem>>
    %dma_start3A_82 = tpu.memref_squeeze %dma_start3A_81 : memref<1x128xi32, #tpu.memory_space<vmem>> -> memref<128xi32, #tpu.memory_space<vmem>>
    %dma_start3A_83 = arith.constant 0 : i32
    %dma_start3A_84 = arith.constant 0 : i32
    %dma_start3A_85 = tpu.memref_slice %arg3[%dma_start3A_83, %dma_start3A_84] : memref<2000000x64xf32, #tpu.memory_space<hbm>> -> memref<2000000x64xf32, #tpu.memory_space<hbm>>
    tpu.enqueue_indirect_dma source(%dma_start3A_85 : memref<2000000x64xf32, #tpu.memory_space<hbm>>) target(%dma_start3A_79 : memref<128x64xf32, #tpu.memory_space<vmem>>) offsets(%dma_start3A_82 : memref<128xi32, #tpu.memory_space<vmem>>) semaphore(%arg9 : memref<!tpu.dma_semaphore, #tpu.memory_space<semaphore_mem>>)
    %dma_start3A_86 = arith.constant 7 : i32
    %dma_start3A_87 = arith.constant 3 : i32
    %dma_start3A_88 = arith.constant 0 : i32
    %dma_start3A_89 = arith.constant 0 : i32
    %dma_start3A_90 = tpu.memref_slice %arg7[%dma_start3A_87, %dma_start3A_88, %dma_start3A_89] : memref<4x128x64xf32, #tpu.memory_space<vmem>> -> memref<1x128x64xf32, #tpu.memory_space<vmem>>
    %dma_start3A_91 = tpu.memref_squeeze %dma_start3A_90 : memref<1x128x64xf32, #tpu.memory_space<vmem>> -> memref<128x64xf32, #tpu.memory_space<vmem>>
    %dma_start3A_92 = arith.constant 0 : i32
    %dma_start3A_93 = tpu.memref_slice %arg5[%dma_start3A_86, %dma_start3A_92] : memref<200x128xi32, #tpu.memory_space<vmem>> -> memref<1x128xi32, #tpu.memory_space<vmem>>
    %dma_start3A_94 = tpu.memref_squeeze %dma_start3A_93 : memref<1x128xi32, #tpu.memory_space<vmem>> -> memref<128xi32, #tpu.memory_space<vmem>>
    %dma_start3A_95 = arith.constant 0 : i32
    %dma_start3A_96 = arith.constant 0 : i32
    %dma_start3A_97 = tpu.memref_slice %arg3[%dma_start3A_95, %dma_start3A_96] : memref<2000000x64xf32, #tpu.memory_space<hbm>> -> memref<2000000x64xf32, #tpu.memory_space<hbm>>
    tpu.enqueue_indirect_dma source(%dma_start3A_97 : memref<2000000x64xf32, #tpu.memory_space<hbm>>) target(%dma_start3A_91 : memref<128x64xf32, #tpu.memory_space<vmem>>) offsets(%dma_start3A_94 : memref<128xi32, #tpu.memory_space<vmem>>) semaphore(%arg9 : memref<!tpu.dma_semaphore, #tpu.memory_space<semaphore_mem>>)
    %scan3A = arith.constant 0 : i32
    %scan3A_98 = arith.constant 25 : i32
    %scan3A_99 = arith.addi %scan3A, %scan3A_98 : i32
    %scan3A_100 = arith.constant 1 : i32
    scf.for %scan3A_113 = %scan3A to %scan3A_99 step %scan3A_100  : i32 {
      %mul3A_114 = arith.constant 1 : i32
      %mul3A_115 = arith.muli %scan3A_113, %mul3A_114 : i32
      %add3A_116 = arith.constant 0 : i32
      %add3A_117 = arith.addi %add3A_116, %mul3A_115 : i32
      %mul3A_118 = arith.constant 2 : i32
      %mul3A_119 = arith.muli %add3A_117, %mul3A_118 : i32
      %add3A_120 = arith.constant 0 : i32
      %add3A_121 = arith.addi %mul3A_119, %add3A_120 : i32
      %dma_wait3A_122 = arith.constant 0 : i32
      %dma_wait3A_123 = arith.constant 0 : i32
      %dma_wait3A_124 = tpu.memref_slice %arg4[%dma_wait3A_122, %dma_wait3A_123] : memref<819200x128xf32, #tpu.memory_space<hbm>> -> memref<512x64xf32, #tpu.memory_space<hbm>>
      %dma_wait3A_125 = arith.constant 0 : i32
      %dma_wait3A_126 = arith.constant 0 : i32
      %dma_wait3A_127 = tpu.memref_slice %arg4[%dma_wait3A_125, %dma_wait3A_126] : memref<819200x128xf32, #tpu.memory_space<hbm>> -> memref<512x64xf32, #tpu.memory_space<hbm>>
      tpu.wait_dma2 semaphore(%arg8 : memref<!tpu.dma_semaphore, #tpu.memory_space<semaphore_mem>>) src(%dma_wait3A_127 : memref<512x64xf32, #tpu.memory_space<hbm>>) dst(%arg6 : memref<4x128x64xf32, #tpu.memory_space<vmem>>)
      %mul3A_128 = arith.constant 4 : i32
      %mul3A_129 = arith.muli %add3A_121, %mul3A_128 : i32
      %add3A_130 = arith.constant 0 : i32
      %add3A_131 = arith.addi %mul3A_129, %add3A_130 : i32
      %mul3A_132 = arith.constant 4096 : i32
      %mul3A_133 = arith.muli %add3A_131, %mul3A_132 : i32
      %add3A_134 = arith.addi %mul3A_133, %mul3A_2 : i32
      %dma_start3A_135 = arith.constant 0 : i32
      %dma_start3A_136 = arith.constant 0 : i32
      %dma_start3A_137 = arith.constant 0 : i32
      %dma_start3A_138 = tpu.memref_slice %arg6[%dma_start3A_135, %dma_start3A_136, %dma_start3A_137] : memref<4x128x64xf32, #tpu.memory_space<vmem>> -> memref<1x128x64xf32, #tpu.memory_space<vmem>>
      %dma_start3A_139 = tpu.memref_squeeze %dma_start3A_138 : memref<1x128x64xf32, #tpu.memory_space<vmem>> -> memref<128x64xf32, #tpu.memory_space<vmem>>
      %dma_start3A_140 = arith.constant 0 : i32
      %dma_start3A_141 = tpu.memref_slice %arg4[%add3A_134, %dma_start3A_140] : memref<819200x128xf32, #tpu.memory_space<hbm>> -> memref<128x64xf32, #tpu.memory_space<hbm>>
      %dma_start3A_142 = arith.constant 0 : i32
      %dma_start3A_143 = tpu.memref_slice %arg4[%add3A_134, %dma_start3A_142] : memref<819200x128xf32, #tpu.memory_space<hbm>> -> memref<128x64xf32, #tpu.memory_space<hbm>>
      %dma_start3A_144 = arith.constant 0 : i32
      %dma_start3A_145 = arith.constant 0 : i32
      %dma_start3A_146 = tpu.memref_slice %arg6[%dma_start3A_135, %dma_start3A_144, %dma_start3A_145] : memref<4x128x64xf32, #tpu.memory_space<vmem>> -> memref<1x128x64xf32, #tpu.memory_space<vmem>>
      %dma_start3A_147 = tpu.memref_squeeze %dma_start3A_146 : memref<1x128x64xf32, #tpu.memory_space<vmem>> -> memref<128x64xf32, #tpu.memory_space<vmem>>
      tpu.enqueue_dma source(%dma_start3A_147 : memref<128x64xf32, #tpu.memory_space<vmem>>) target(%dma_start3A_143 : memref<128x64xf32, #tpu.memory_space<hbm>>) target_semaphore(%arg10 : memref<!tpu.dma_semaphore, #tpu.memory_space<semaphore_mem>>)
      %mul3A_148 = arith.constant 4 : i32
      %mul3A_149 = arith.muli %add3A_121, %mul3A_148 : i32
      %add3A_150 = arith.constant 1 : i32
      %add3A_151 = arith.addi %mul3A_149, %add3A_150 : i32
      %mul3A_152 = arith.constant 4096 : i32
      %mul3A_153 = arith.muli %add3A_151, %mul3A_152 : i32
      %add3A_154 = arith.addi %mul3A_153, %mul3A_2 : i32
      %dma_start3A_155 = arith.constant 1 : i32
      %dma_start3A_156 = arith.constant 0 : i32
      %dma_start3A_157 = arith.constant 0 : i32
      %dma_start3A_158 = tpu.memref_slice %arg6[%dma_start3A_155, %dma_start3A_156, %dma_start3A_157] : memref<4x128x64xf32, #tpu.memory_space<vmem>> -> memref<1x128x64xf32, #tpu.memory_space<vmem>>
      %dma_start3A_159 = tpu.memref_squeeze %dma_start3A_158 : memref<1x128x64xf32, #tpu.memory_space<vmem>> -> memref<128x64xf32, #tpu.memory_space<vmem>>
      %dma_start3A_160 = arith.constant 0 : i32
      %dma_start3A_161 = tpu.memref_slice %arg4[%add3A_154, %dma_start3A_160] : memref<819200x128xf32, #tpu.memory_space<hbm>> -> memref<128x64xf32, #tpu.memory_space<hbm>>
      %dma_start3A_162 = arith.constant 0 : i32
      %dma_start3A_163 = tpu.memref_slice %arg4[%add3A_154, %dma_start3A_162] : memref<819200x128xf32, #tpu.memory_space<hbm>> -> memref<128x64xf32, #tpu.memory_space<hbm>>
      %dma_start3A_164 = arith.constant 0 : i32
      %dma_start3A_165 = arith.constant 0 : i32
      %dma_start3A_166 = tpu.memref_slice %arg6[%dma_start3A_155, %dma_start3A_164, %dma_start3A_165] : memref<4x128x64xf32, #tpu.memory_space<vmem>> -> memref<1x128x64xf32, #tpu.memory_space<vmem>>
      %dma_start3A_167 = tpu.memref_squeeze %dma_start3A_166 : memref<1x128x64xf32, #tpu.memory_space<vmem>> -> memref<128x64xf32, #tpu.memory_space<vmem>>
      tpu.enqueue_dma source(%dma_start3A_167 : memref<128x64xf32, #tpu.memory_space<vmem>>) target(%dma_start3A_163 : memref<128x64xf32, #tpu.memory_space<hbm>>) target_semaphore(%arg10 : memref<!tpu.dma_semaphore, #tpu.memory_space<semaphore_mem>>)
      %mul3A_168 = arith.constant 4 : i32
      %mul3A_169 = arith.muli %add3A_121, %mul3A_168 : i32
      %add3A_170 = arith.constant 2 : i32
      %add3A_171 = arith.addi %mul3A_169, %add3A_170 : i32
      %mul3A_172 = arith.constant 4096 : i32
      %mul3A_173 = arith.muli %add3A_171, %mul3A_172 : i32
      %add3A_174 = arith.addi %mul3A_173, %mul3A_2 : i32
      %dma_start3A_175 = arith.constant 2 : i32
      %dma_start3A_176 = arith.constant 0 : i32
      %dma_start3A_177 = arith.constant 0 : i32
      %dma_start3A_178 = tpu.memref_slice %arg6[%dma_start3A_175, %dma_start3A_176, %dma_start3A_177] : memref<4x128x64xf32, #tpu.memory_space<vmem>> -> memref<1x128x64xf32, #tpu.memory_space<vmem>>
      %dma_start3A_179 = tpu.memref_squeeze %dma_start3A_178 : memref<1x128x64xf32, #tpu.memory_space<vmem>> -> memref<128x64xf32, #tpu.memory_space<vmem>>
      %dma_start3A_180 = arith.constant 0 : i32
      %dma_start3A_181 = tpu.memref_slice %arg4[%add3A_174, %dma_start3A_180] : memref<819200x128xf32, #tpu.memory_space<hbm>> -> memref<128x64xf32, #tpu.memory_space<hbm>>
      %dma_start3A_182 = arith.constant 0 : i32
      %dma_start3A_183 = tpu.memref_slice %arg4[%add3A_174, %dma_start3A_182] : memref<819200x128xf32, #tpu.memory_space<hbm>> -> memref<128x64xf32, #tpu.memory_space<hbm>>
      %dma_start3A_184 = arith.constant 0 : i32
      %dma_start3A_185 = arith.constant 0 : i32
      %dma_start3A_186 = tpu.memref_slice %arg6[%dma_start3A_175, %dma_start3A_184, %dma_start3A_185] : memref<4x128x64xf32, #tpu.memory_space<vmem>> -> memref<1x128x64xf32, #tpu.memory_space<vmem>>
      %dma_start3A_187 = tpu.memref_squeeze %dma_start3A_186 : memref<1x128x64xf32, #tpu.memory_space<vmem>> -> memref<128x64xf32, #tpu.memory_space<vmem>>
      tpu.enqueue_dma source(%dma_start3A_187 : memref<128x64xf32, #tpu.memory_space<vmem>>) target(%dma_start3A_183 : memref<128x64xf32, #tpu.memory_space<hbm>>) target_semaphore(%arg10 : memref<!tpu.dma_semaphore, #tpu.memory_space<semaphore_mem>>)
      %mul3A_188 = arith.constant 4 : i32
      %mul3A_189 = arith.muli %add3A_121, %mul3A_188 : i32
      %add3A_190 = arith.constant 3 : i32
      %add3A_191 = arith.addi %mul3A_189, %add3A_190 : i32
      %mul3A_192 = arith.constant 4096 : i32
      %mul3A_193 = arith.muli %add3A_191, %mul3A_192 : i32
      %add3A_194 = arith.addi %mul3A_193, %mul3A_2 : i32
      %dma_start3A_195 = arith.constant 3 : i32
      %dma_start3A_196 = arith.constant 0 : i32
      %dma_start3A_197 = arith.constant 0 : i32
      %dma_start3A_198 = tpu.memref_slice %arg6[%dma_start3A_195, %dma_start3A_196, %dma_start3A_197] : memref<4x128x64xf32, #tpu.memory_space<vmem>> -> memref<1x128x64xf32, #tpu.memory_space<vmem>>
      %dma_start3A_199 = tpu.memref_squeeze %dma_start3A_198 : memref<1x128x64xf32, #tpu.memory_space<vmem>> -> memref<128x64xf32, #tpu.memory_space<vmem>>
      %dma_start3A_200 = arith.constant 0 : i32
      %dma_start3A_201 = tpu.memref_slice %arg4[%add3A_194, %dma_start3A_200] : memref<819200x128xf32, #tpu.memory_space<hbm>> -> memref<128x64xf32, #tpu.memory_space<hbm>>
      %dma_start3A_202 = arith.constant 0 : i32
      %dma_start3A_203 = tpu.memref_slice %arg4[%add3A_194, %dma_start3A_202] : memref<819200x128xf32, #tpu.memory_space<hbm>> -> memref<128x64xf32, #tpu.memory_space<hbm>>
      %dma_start3A_204 = arith.constant 0 : i32
      %dma_start3A_205 = arith.constant 0 : i32
      %dma_start3A_206 = tpu.memref_slice %arg6[%dma_start3A_195, %dma_start3A_204, %dma_start3A_205] : memref<4x128x64xf32, #tpu.memory_space<vmem>> -> memref<1x128x64xf32, #tpu.memory_space<vmem>>
      %dma_start3A_207 = tpu.memref_squeeze %dma_start3A_206 : memref<1x128x64xf32, #tpu.memory_space<vmem>> -> memref<128x64xf32, #tpu.memory_space<vmem>>
      tpu.enqueue_dma source(%dma_start3A_207 : memref<128x64xf32, #tpu.memory_space<vmem>>) target(%dma_start3A_203 : memref<128x64xf32, #tpu.memory_space<hbm>>) target_semaphore(%arg10 : memref<!tpu.dma_semaphore, #tpu.memory_space<semaphore_mem>>)
      %mul3A_208 = arith.constant 2 : i32
      %mul3A_209 = arith.muli %add3A_117, %mul3A_208 : i32
      %add3A_210 = arith.constant 1 : i32
      %add3A_211 = arith.addi %mul3A_209, %add3A_210 : i32
      %dma_wait3A_212 = arith.constant 0 : i32
      %dma_wait3A_213 = arith.constant 0 : i32
      %dma_wait3A_214 = tpu.memref_slice %arg4[%dma_wait3A_212, %dma_wait3A_213] : memref<819200x128xf32, #tpu.memory_space<hbm>> -> memref<512x64xf32, #tpu.memory_space<hbm>>
      %dma_wait3A_215 = arith.constant 0 : i32
      %dma_wait3A_216 = arith.constant 0 : i32
      %dma_wait3A_217 = tpu.memref_slice %arg4[%dma_wait3A_215, %dma_wait3A_216] : memref<819200x128xf32, #tpu.memory_space<hbm>> -> memref<512x64xf32, #tpu.memory_space<hbm>>
      tpu.wait_dma2 semaphore(%arg9 : memref<!tpu.dma_semaphore, #tpu.memory_space<semaphore_mem>>) src(%dma_wait3A_217 : memref<512x64xf32, #tpu.memory_space<hbm>>) dst(%arg7 : memref<4x128x64xf32, #tpu.memory_space<vmem>>)
      %mul3A_218 = arith.constant 4 : i32
      %mul3A_219 = arith.muli %add3A_211, %mul3A_218 : i32
      %add3A_220 = arith.constant 0 : i32
      %add3A_221 = arith.addi %mul3A_219, %add3A_220 : i32
      %mul3A_222 = arith.constant 4096 : i32
      %mul3A_223 = arith.muli %add3A_221, %mul3A_222 : i32
      %add3A_224 = arith.addi %mul3A_223, %mul3A_2 : i32
      %dma_start3A_225 = arith.constant 0 : i32
      %dma_start3A_226 = arith.constant 0 : i32
      %dma_start3A_227 = arith.constant 0 : i32
      %dma_start3A_228 = tpu.memref_slice %arg7[%dma_start3A_225, %dma_start3A_226, %dma_start3A_227] : memref<4x128x64xf32, #tpu.memory_space<vmem>> -> memref<1x128x64xf32, #tpu.memory_space<vmem>>
      %dma_start3A_229 = tpu.memref_squeeze %dma_start3A_228 : memref<1x128x64xf32, #tpu.memory_space<vmem>> -> memref<128x64xf32, #tpu.memory_space<vmem>>
      %dma_start3A_230 = arith.constant 0 : i32
      %dma_start3A_231 = tpu.memref_slice %arg4[%add3A_224, %dma_start3A_230] : memref<819200x128xf32, #tpu.memory_space<hbm>> -> memref<128x64xf32, #tpu.memory_space<hbm>>
      %dma_start3A_232 = arith.constant 0 : i32
      %dma_start3A_233 = tpu.memref_slice %arg4[%add3A_224, %dma_start3A_232] : memref<819200x128xf32, #tpu.memory_space<hbm>> -> memref<128x64xf32, #tpu.memory_space<hbm>>
      %dma_start3A_234 = arith.constant 0 : i32
      %dma_start3A_235 = arith.constant 0 : i32
      %dma_start3A_236 = tpu.memref_slice %arg7[%dma_start3A_225, %dma_start3A_234, %dma_start3A_235] : memref<4x128x64xf32, #tpu.memory_space<vmem>> -> memref<1x128x64xf32, #tpu.memory_space<vmem>>
      %dma_start3A_237 = tpu.memref_squeeze %dma_start3A_236 : memref<1x128x64xf32, #tpu.memory_space<vmem>> -> memref<128x64xf32, #tpu.memory_space<vmem>>
      tpu.enqueue_dma source(%dma_start3A_237 : memref<128x64xf32, #tpu.memory_space<vmem>>) target(%dma_start3A_233 : memref<128x64xf32, #tpu.memory_space<hbm>>) target_semaphore(%arg11 : memref<!tpu.dma_semaphore, #tpu.memory_space<semaphore_mem>>)
      %mul3A_238 = arith.constant 4 : i32
      %mul3A_239 = arith.muli %add3A_211, %mul3A_238 : i32
      %add3A_240 = arith.constant 1 : i32
      %add3A_241 = arith.addi %mul3A_239, %add3A_240 : i32
      %mul3A_242 = arith.constant 4096 : i32
      %mul3A_243 = arith.muli %add3A_241, %mul3A_242 : i32
      %add3A_244 = arith.addi %mul3A_243, %mul3A_2 : i32
      %dma_start3A_245 = arith.constant 1 : i32
      %dma_start3A_246 = arith.constant 0 : i32
      %dma_start3A_247 = arith.constant 0 : i32
      %dma_start3A_248 = tpu.memref_slice %arg7[%dma_start3A_245, %dma_start3A_246, %dma_start3A_247] : memref<4x128x64xf32, #tpu.memory_space<vmem>> -> memref<1x128x64xf32, #tpu.memory_space<vmem>>
      %dma_start3A_249 = tpu.memref_squeeze %dma_start3A_248 : memref<1x128x64xf32, #tpu.memory_space<vmem>> -> memref<128x64xf32, #tpu.memory_space<vmem>>
      %dma_start3A_250 = arith.constant 0 : i32
      %dma_start3A_251 = tpu.memref_slice %arg4[%add3A_244, %dma_start3A_250] : memref<819200x128xf32, #tpu.memory_space<hbm>> -> memref<128x64xf32, #tpu.memory_space<hbm>>
      %dma_start3A_252 = arith.constant 0 : i32
      %dma_start3A_253 = tpu.memref_slice %arg4[%add3A_244, %dma_start3A_252] : memref<819200x128xf32, #tpu.memory_space<hbm>> -> memref<128x64xf32, #tpu.memory_space<hbm>>
      %dma_start3A_254 = arith.constant 0 : i32
      %dma_start3A_255 = arith.constant 0 : i32
      %dma_start3A_256 = tpu.memref_slice %arg7[%dma_start3A_245, %dma_start3A_254, %dma_start3A_255] : memref<4x128x64xf32, #tpu.memory_space<vmem>> -> memref<1x128x64xf32, #tpu.memory_space<vmem>>
      %dma_start3A_257 = tpu.memref_squeeze %dma_start3A_256 : memref<1x128x64xf32, #tpu.memory_space<vmem>> -> memref<128x64xf32, #tpu.memory_space<vmem>>
      tpu.enqueue_dma source(%dma_start3A_257 : memref<128x64xf32, #tpu.memory_space<vmem>>) target(%dma_start3A_253 : memref<128x64xf32, #tpu.memory_space<hbm>>) target_semaphore(%arg11 : memref<!tpu.dma_semaphore, #tpu.memory_space<semaphore_mem>>)
      %mul3A_258 = arith.constant 4 : i32
      %mul3A_259 = arith.muli %add3A_211, %mul3A_258 : i32
      %add3A_260 = arith.constant 2 : i32
      %add3A_261 = arith.addi %mul3A_259, %add3A_260 : i32
      %mul3A_262 = arith.constant 4096 : i32
      %mul3A_263 = arith.muli %add3A_261, %mul3A_262 : i32
      %add3A_264 = arith.addi %mul3A_263, %mul3A_2 : i32
      %dma_start3A_265 = arith.constant 2 : i32
      %dma_start3A_266 = arith.constant 0 : i32
      %dma_start3A_267 = arith.constant 0 : i32
      %dma_start3A_268 = tpu.memref_slice %arg7[%dma_start3A_265, %dma_start3A_266, %dma_start3A_267] : memref<4x128x64xf32, #tpu.memory_space<vmem>> -> memref<1x128x64xf32, #tpu.memory_space<vmem>>
      %dma_start3A_269 = tpu.memref_squeeze %dma_start3A_268 : memref<1x128x64xf32, #tpu.memory_space<vmem>> -> memref<128x64xf32, #tpu.memory_space<vmem>>
      %dma_start3A_270 = arith.constant 0 : i32
      %dma_start3A_271 = tpu.memref_slice %arg4[%add3A_264, %dma_start3A_270] : memref<819200x128xf32, #tpu.memory_space<hbm>> -> memref<128x64xf32, #tpu.memory_space<hbm>>
      %dma_start3A_272 = arith.constant 0 : i32
      %dma_start3A_273 = tpu.memref_slice %arg4[%add3A_264, %dma_start3A_272] : memref<819200x128xf32, #tpu.memory_space<hbm>> -> memref<128x64xf32, #tpu.memory_space<hbm>>
      %dma_start3A_274 = arith.constant 0 : i32
      %dma_start3A_275 = arith.constant 0 : i32
      %dma_start3A_276 = tpu.memref_slice %arg7[%dma_start3A_265, %dma_start3A_274, %dma_start3A_275] : memref<4x128x64xf32, #tpu.memory_space<vmem>> -> memref<1x128x64xf32, #tpu.memory_space<vmem>>
      %dma_start3A_277 = tpu.memref_squeeze %dma_start3A_276 : memref<1x128x64xf32, #tpu.memory_space<vmem>> -> memref<128x64xf32, #tpu.memory_space<vmem>>
      tpu.enqueue_dma source(%dma_start3A_277 : memref<128x64xf32, #tpu.memory_space<vmem>>) target(%dma_start3A_273 : memref<128x64xf32, #tpu.memory_space<hbm>>) target_semaphore(%arg11 : memref<!tpu.dma_semaphore, #tpu.memory_space<semaphore_mem>>)
      %mul3A_278 = arith.constant 4 : i32
      %mul3A_279 = arith.muli %add3A_211, %mul3A_278 : i32
      %add3A_280 = arith.constant 3 : i32
      %add3A_281 = arith.addi %mul3A_279, %add3A_280 : i32
      %mul3A_282 = arith.constant 4096 : i32
      %mul3A_283 = arith.muli %add3A_281, %mul3A_282 : i32
      %add3A_284 = arith.addi %mul3A_283, %mul3A_2 : i32
      %dma_start3A_285 = arith.constant 3 : i32
      %dma_start3A_286 = arith.constant 0 : i32
      %dma_start3A_287 = arith.constant 0 : i32
      %dma_start3A_288 = tpu.memref_slice %arg7[%dma_start3A_285, %dma_start3A_286, %dma_start3A_287] : memref<4x128x64xf32, #tpu.memory_space<vmem>> -> memref<1x128x64xf32, #tpu.memory_space<vmem>>
      %dma_start3A_289 = tpu.memref_squeeze %dma_start3A_288 : memref<1x128x64xf32, #tpu.memory_space<vmem>> -> memref<128x64xf32, #tpu.memory_space<vmem>>
      %dma_start3A_290 = arith.constant 0 : i32
      %dma_start3A_291 = tpu.memref_slice %arg4[%add3A_284, %dma_start3A_290] : memref<819200x128xf32, #tpu.memory_space<hbm>> -> memref<128x64xf32, #tpu.memory_space<hbm>>
      %dma_start3A_292 = arith.constant 0 : i32
      %dma_start3A_293 = tpu.memref_slice %arg4[%add3A_284, %dma_start3A_292] : memref<819200x128xf32, #tpu.memory_space<hbm>> -> memref<128x64xf32, #tpu.memory_space<hbm>>
      %dma_start3A_294 = arith.constant 0 : i32
      %dma_start3A_295 = arith.constant 0 : i32
      %dma_start3A_296 = tpu.memref_slice %arg7[%dma_start3A_285, %dma_start3A_294, %dma_start3A_295] : memref<4x128x64xf32, #tpu.memory_space<vmem>> -> memref<1x128x64xf32, #tpu.memory_space<vmem>>
      %dma_start3A_297 = tpu.memref_squeeze %dma_start3A_296 : memref<1x128x64xf32, #tpu.memory_space<vmem>> -> memref<128x64xf32, #tpu.memory_space<vmem>>
      tpu.enqueue_dma source(%dma_start3A_297 : memref<128x64xf32, #tpu.memory_space<vmem>>) target(%dma_start3A_293 : memref<128x64xf32, #tpu.memory_space<hbm>>) target_semaphore(%arg11 : memref<!tpu.dma_semaphore, #tpu.memory_space<semaphore_mem>>)
      %mul3A_298 = arith.constant 2 : i32
      %mul3A_299 = arith.muli %add3A_117, %mul3A_298 : i32
      %add3A_300 = arith.constant 0 : i32
      %add3A_301 = arith.addi %mul3A_299, %add3A_300 : i32
      %add3A_302 = arith.constant 2 : i32
      %add3A_303 = arith.addi %add3A_301, %add3A_302 : i32
      %lt3A = arith.constant 50 : i32
      %lt3A_304 = arith.cmpi slt, %add3A_303, %lt3A : i32
      %convert_element_type3A = arith.extui %lt3A_304 : i1 to i32
      %cond3A = arith.constant 0 : i32
      %cond3A_305 = arith.cmpi ne, %convert_element_type3A, %cond3A : i32
      scf.if %cond3A_305 {
        %dma_wait3A_317 = arith.constant 0 : i32
        %dma_wait3A_318 = arith.constant 0 : i32
        %dma_wait3A_319 = tpu.memref_slice %arg4[%dma_wait3A_317, %dma_wait3A_318] : memref<819200x128xf32, #tpu.memory_space<hbm>> -> memref<512x64xf32, #tpu.memory_space<hbm>>
        %dma_wait3A_320 = arith.constant 0 : i32
        %dma_wait3A_321 = arith.constant 0 : i32
        %dma_wait3A_322 = tpu.memref_slice %arg4[%dma_wait3A_320, %dma_wait3A_321] : memref<819200x128xf32, #tpu.memory_space<hbm>> -> memref<512x64xf32, #tpu.memory_space<hbm>>
        tpu.wait_dma2 semaphore(%arg10 : memref<!tpu.dma_semaphore, #tpu.memory_space<semaphore_mem>>) src(%arg6 : memref<4x128x64xf32, #tpu.memory_space<vmem>>) dst(%dma_wait3A_322 : memref<512x64xf32, #tpu.memory_space<hbm>>)
        %mul3A_323 = arith.constant 4 : i32
        %mul3A_324 = arith.muli %add3A_303, %mul3A_323 : i32
        %add3A_325 = arith.constant 0 : i32
        %add3A_326 = arith.addi %mul3A_324, %add3A_325 : i32
        %dma_start3A_327 = arith.constant 0 : i32
        %dma_start3A_328 = arith.constant 0 : i32
        %dma_start3A_329 = arith.constant 0 : i32
        %dma_start3A_330 = tpu.memref_slice %arg6[%dma_start3A_327, %dma_start3A_328, %dma_start3A_329] : memref<4x128x64xf32, #tpu.memory_space<vmem>> -> memref<1x128x64xf32, #tpu.memory_space<vmem>>
        %dma_start3A_331 = tpu.memref_squeeze %dma_start3A_330 : memref<1x128x64xf32, #tpu.memory_space<vmem>> -> memref<128x64xf32, #tpu.memory_space<vmem>>
        %dma_start3A_332 = arith.constant 0 : i32
        %dma_start3A_333 = tpu.memref_slice %arg5[%add3A_326, %dma_start3A_332] : memref<200x128xi32, #tpu.memory_space<vmem>> -> memref<1x128xi32, #tpu.memory_space<vmem>>
        %dma_start3A_334 = tpu.memref_squeeze %dma_start3A_333 : memref<1x128xi32, #tpu.memory_space<vmem>> -> memref<128xi32, #tpu.memory_space<vmem>>
        %dma_start3A_335 = arith.constant 0 : i32
        %dma_start3A_336 = arith.constant 0 : i32
        %dma_start3A_337 = tpu.memref_slice %arg3[%dma_start3A_335, %dma_start3A_336] : memref<2000000x64xf32, #tpu.memory_space<hbm>> -> memref<2000000x64xf32, #tpu.memory_space<hbm>>
        tpu.enqueue_indirect_dma source(%dma_start3A_337 : memref<2000000x64xf32, #tpu.memory_space<hbm>>) target(%dma_start3A_331 : memref<128x64xf32, #tpu.memory_space<vmem>>) offsets(%dma_start3A_334 : memref<128xi32, #tpu.memory_space<vmem>>) semaphore(%arg8 : memref<!tpu.dma_semaphore, #tpu.memory_space<semaphore_mem>>)
        %mul3A_338 = arith.constant 4 : i32
        %mul3A_339 = arith.muli %add3A_303, %mul3A_338 : i32
        %add3A_340 = arith.constant 1 : i32
        %add3A_341 = arith.addi %mul3A_339, %add3A_340 : i32
        %dma_start3A_342 = arith.constant 1 : i32
        %dma_start3A_343 = arith.constant 0 : i32
        %dma_start3A_344 = arith.constant 0 : i32
        %dma_start3A_345 = tpu.memref_slice %arg6[%dma_start3A_342, %dma_start3A_343, %dma_start3A_344] : memref<4x128x64xf32, #tpu.memory_space<vmem>> -> memref<1x128x64xf32, #tpu.memory_space<vmem>>
        %dma_start3A_346 = tpu.memref_squeeze %dma_start3A_345 : memref<1x128x64xf32, #tpu.memory_space<vmem>> -> memref<128x64xf32, #tpu.memory_space<vmem>>
        %dma_start3A_347 = arith.constant 0 : i32
        %dma_start3A_348 = tpu.memref_slice %arg5[%add3A_341, %dma_start3A_347] : memref<200x128xi32, #tpu.memory_space<vmem>> -> memref<1x128xi32, #tpu.memory_space<vmem>>
        %dma_start3A_349 = tpu.memref_squeeze %dma_start3A_348 : memref<1x128xi32, #tpu.memory_space<vmem>> -> memref<128xi32, #tpu.memory_space<vmem>>
        %dma_start3A_350 = arith.constant 0 : i32
        %dma_start3A_351 = arith.constant 0 : i32
        %dma_start3A_352 = tpu.memref_slice %arg3[%dma_start3A_350, %dma_start3A_351] : memref<2000000x64xf32, #tpu.memory_space<hbm>> -> memref<2000000x64xf32, #tpu.memory_space<hbm>>
        tpu.enqueue_indirect_dma source(%dma_start3A_352 : memref<2000000x64xf32, #tpu.memory_space<hbm>>) target(%dma_start3A_346 : memref<128x64xf32, #tpu.memory_space<vmem>>) offsets(%dma_start3A_349 : memref<128xi32, #tpu.memory_space<vmem>>) semaphore(%arg8 : memref<!tpu.dma_semaphore, #tpu.memory_space<semaphore_mem>>)
        %mul3A_353 = arith.constant 4 : i32
        %mul3A_354 = arith.muli %add3A_303, %mul3A_353 : i32
        %add3A_355 = arith.constant 2 : i32
        %add3A_356 = arith.addi %mul3A_354, %add3A_355 : i32
        %dma_start3A_357 = arith.constant 2 : i32
        %dma_start3A_358 = arith.constant 0 : i32
        %dma_start3A_359 = arith.constant 0 : i32
        %dma_start3A_360 = tpu.memref_slice %arg6[%dma_start3A_357, %dma_start3A_358, %dma_start3A_359] : memref<4x128x64xf32, #tpu.memory_space<vmem>> -> memref<1x128x64xf32, #tpu.memory_space<vmem>>
        %dma_start3A_361 = tpu.memref_squeeze %dma_start3A_360 : memref<1x128x64xf32, #tpu.memory_space<vmem>> -> memref<128x64xf32, #tpu.memory_space<vmem>>
        %dma_start3A_362 = arith.constant 0 : i32
        %dma_start3A_363 = tpu.memref_slice %arg5[%add3A_356, %dma_start3A_362] : memref<200x128xi32, #tpu.memory_space<vmem>> -> memref<1x128xi32, #tpu.memory_space<vmem>>
        %dma_start3A_364 = tpu.memref_squeeze %dma_start3A_363 : memref<1x128xi32, #tpu.memory_space<vmem>> -> memref<128xi32, #tpu.memory_space<vmem>>
        %dma_start3A_365 = arith.constant 0 : i32
        %dma_start3A_366 = arith.constant 0 : i32
        %dma_start3A_367 = tpu.memref_slice %arg3[%dma_start3A_365, %dma_start3A_366] : memref<2000000x64xf32, #tpu.memory_space<hbm>> -> memref<2000000x64xf32, #tpu.memory_space<hbm>>
        tpu.enqueue_indirect_dma source(%dma_start3A_367 : memref<2000000x64xf32, #tpu.memory_space<hbm>>) target(%dma_start3A_361 : memref<128x64xf32, #tpu.memory_space<vmem>>) offsets(%dma_start3A_364 : memref<128xi32, #tpu.memory_space<vmem>>) semaphore(%arg8 : memref<!tpu.dma_semaphore, #tpu.memory_space<semaphore_mem>>)
        %mul3A_368 = arith.constant 4 : i32
        %mul3A_369 = arith.muli %add3A_303, %mul3A_368 : i32
        %add3A_370 = arith.constant 3 : i32
        %add3A_371 = arith.addi %mul3A_369, %add3A_370 : i32
        %dma_start3A_372 = arith.constant 3 : i32
        %dma_start3A_373 = arith.constant 0 : i32
        %dma_start3A_374 = arith.constant 0 : i32
        %dma_start3A_375 = tpu.memref_slice %arg6[%dma_start3A_372, %dma_start3A_373, %dma_start3A_374] : memref<4x128x64xf32, #tpu.memory_space<vmem>> -> memref<1x128x64xf32, #tpu.memory_space<vmem>>
        %dma_start3A_376 = tpu.memref_squeeze %dma_start3A_375 : memref<1x128x64xf32, #tpu.memory_space<vmem>> -> memref<128x64xf32, #tpu.memory_space<vmem>>
        %dma_start3A_377 = arith.constant 0 : i32
        %dma_start3A_378 = tpu.memref_slice %arg5[%add3A_371, %dma_start3A_377] : memref<200x128xi32, #tpu.memory_space<vmem>> -> memref<1x128xi32, #tpu.memory_space<vmem>>
        %dma_start3A_379 = tpu.memref_squeeze %dma_start3A_378 : memref<1x128xi32, #tpu.memory_space<vmem>> -> memref<128xi32, #tpu.memory_space<vmem>>
        %dma_start3A_380 = arith.constant 0 : i32
        %dma_start3A_381 = arith.constant 0 : i32
        %dma_start3A_382 = tpu.memref_slice %arg3[%dma_start3A_380, %dma_start3A_381] : memref<2000000x64xf32, #tpu.memory_space<hbm>> -> memref<2000000x64xf32, #tpu.memory_space<hbm>>
        tpu.enqueue_indirect_dma source(%dma_start3A_382 : memref<2000000x64xf32, #tpu.memory_space<hbm>>) target(%dma_start3A_376 : memref<128x64xf32, #tpu.memory_space<vmem>>) offsets(%dma_start3A_379 : memref<128xi32, #tpu.memory_space<vmem>>) semaphore(%arg8 : memref<!tpu.dma_semaphore, #tpu.memory_space<semaphore_mem>>)
      } else {
      }
      %mul3A_306 = arith.constant 2 : i32
      %mul3A_307 = arith.muli %add3A_117, %mul3A_306 : i32
      %add3A_308 = arith.constant 1 : i32
      %add3A_309 = arith.addi %mul3A_307, %add3A_308 : i32
      %add3A_310 = arith.constant 2 : i32
      %add3A_311 = arith.addi %add3A_309, %add3A_310 : i32
      %lt3A_312 = arith.constant 50 : i32
      %lt3A_313 = arith.cmpi slt, %add3A_311, %lt3A_312 : i32
      %convert_element_type3A_314 = arith.extui %lt3A_313 : i1 to i32
      %cond3A_315 = arith.constant 0 : i32
      %cond3A_316 = arith.cmpi ne, %convert_element_type3A_314, %cond3A_315 : i32
      scf.if %cond3A_316 {
        %dma_wait3A_317 = arith.constant 0 : i32
        %dma_wait3A_318 = arith.constant 0 : i32
        %dma_wait3A_319 = tpu.memref_slice %arg4[%dma_wait3A_317, %dma_wait3A_318] : memref<819200x128xf32, #tpu.memory_space<hbm>> -> memref<512x64xf32, #tpu.memory_space<hbm>>
        %dma_wait3A_320 = arith.constant 0 : i32
        %dma_wait3A_321 = arith.constant 0 : i32
        %dma_wait3A_322 = tpu.memref_slice %arg4[%dma_wait3A_320, %dma_wait3A_321] : memref<819200x128xf32, #tpu.memory_space<hbm>> -> memref<512x64xf32, #tpu.memory_space<hbm>>
        tpu.wait_dma2 semaphore(%arg11 : memref<!tpu.dma_semaphore, #tpu.memory_space<semaphore_mem>>) src(%arg7 : memref<4x128x64xf32, #tpu.memory_space<vmem>>) dst(%dma_wait3A_322 : memref<512x64xf32, #tpu.memory_space<hbm>>)
        %mul3A_323 = arith.constant 4 : i32
        %mul3A_324 = arith.muli %add3A_311, %mul3A_323 : i32
        %add3A_325 = arith.constant 0 : i32
        %add3A_326 = arith.addi %mul3A_324, %add3A_325 : i32
        %dma_start3A_327 = arith.constant 0 : i32
        %dma_start3A_328 = arith.constant 0 : i32
        %dma_start3A_329 = arith.constant 0 : i32
        %dma_start3A_330 = tpu.memref_slice %arg7[%dma_start3A_327, %dma_start3A_328, %dma_start3A_329] : memref<4x128x64xf32, #tpu.memory_space<vmem>> -> memref<1x128x64xf32, #tpu.memory_space<vmem>>
        %dma_start3A_331 = tpu.memref_squeeze %dma_start3A_330 : memref<1x128x64xf32, #tpu.memory_space<vmem>> -> memref<128x64xf32, #tpu.memory_space<vmem>>
        %dma_start3A_332 = arith.constant 0 : i32
        %dma_start3A_333 = tpu.memref_slice %arg5[%add3A_326, %dma_start3A_332] : memref<200x128xi32, #tpu.memory_space<vmem>> -> memref<1x128xi32, #tpu.memory_space<vmem>>
        %dma_start3A_334 = tpu.memref_squeeze %dma_start3A_333 : memref<1x128xi32, #tpu.memory_space<vmem>> -> memref<128xi32, #tpu.memory_space<vmem>>
        %dma_start3A_335 = arith.constant 0 : i32
        %dma_start3A_336 = arith.constant 0 : i32
        %dma_start3A_337 = tpu.memref_slice %arg3[%dma_start3A_335, %dma_start3A_336] : memref<2000000x64xf32, #tpu.memory_space<hbm>> -> memref<2000000x64xf32, #tpu.memory_space<hbm>>
        tpu.enqueue_indirect_dma source(%dma_start3A_337 : memref<2000000x64xf32, #tpu.memory_space<hbm>>) target(%dma_start3A_331 : memref<128x64xf32, #tpu.memory_space<vmem>>) offsets(%dma_start3A_334 : memref<128xi32, #tpu.memory_space<vmem>>) semaphore(%arg9 : memref<!tpu.dma_semaphore, #tpu.memory_space<semaphore_mem>>)
        %mul3A_338 = arith.constant 4 : i32
        %mul3A_339 = arith.muli %add3A_311, %mul3A_338 : i32
        %add3A_340 = arith.constant 1 : i32
        %add3A_341 = arith.addi %mul3A_339, %add3A_340 : i32
        %dma_start3A_342 = arith.constant 1 : i32
        %dma_start3A_343 = arith.constant 0 : i32
        %dma_start3A_344 = arith.constant 0 : i32
        %dma_start3A_345 = tpu.memref_slice %arg7[%dma_start3A_342, %dma_start3A_343, %dma_start3A_344] : memref<4x128x64xf32, #tpu.memory_space<vmem>> -> memref<1x128x64xf32, #tpu.memory_space<vmem>>
        %dma_start3A_346 = tpu.memref_squeeze %dma_start3A_345 : memref<1x128x64xf32, #tpu.memory_space<vmem>> -> memref<128x64xf32, #tpu.memory_space<vmem>>
        %dma_start3A_347 = arith.constant 0 : i32
        %dma_start3A_348 = tpu.memref_slice %arg5[%add3A_341, %dma_start3A_347] : memref<200x128xi32, #tpu.memory_space<vmem>> -> memref<1x128xi32, #tpu.memory_space<vmem>>
        %dma_start3A_349 = tpu.memref_squeeze %dma_start3A_348 : memref<1x128xi32, #tpu.memory_space<vmem>> -> memref<128xi32, #tpu.memory_space<vmem>>
        %dma_start3A_350 = arith.constant 0 : i32
        %dma_start3A_351 = arith.constant 0 : i32
        %dma_start3A_352 = tpu.memref_slice %arg3[%dma_start3A_350, %dma_start3A_351] : memref<2000000x64xf32, #tpu.memory_space<hbm>> -> memref<2000000x64xf32, #tpu.memory_space<hbm>>
        tpu.enqueue_indirect_dma source(%dma_start3A_352 : memref<2000000x64xf32, #tpu.memory_space<hbm>>) target(%dma_start3A_346 : memref<128x64xf32, #tpu.memory_space<vmem>>) offsets(%dma_start3A_349 : memref<128xi32, #tpu.memory_space<vmem>>) semaphore(%arg9 : memref<!tpu.dma_semaphore, #tpu.memory_space<semaphore_mem>>)
        %mul3A_353 = arith.constant 4 : i32
        %mul3A_354 = arith.muli %add3A_311, %mul3A_353 : i32
        %add3A_355 = arith.constant 2 : i32
        %add3A_356 = arith.addi %mul3A_354, %add3A_355 : i32
        %dma_start3A_357 = arith.constant 2 : i32
        %dma_start3A_358 = arith.constant 0 : i32
        %dma_start3A_359 = arith.constant 0 : i32
        %dma_start3A_360 = tpu.memref_slice %arg7[%dma_start3A_357, %dma_start3A_358, %dma_start3A_359] : memref<4x128x64xf32, #tpu.memory_space<vmem>> -> memref<1x128x64xf32, #tpu.memory_space<vmem>>
        %dma_start3A_361 = tpu.memref_squeeze %dma_start3A_360 : memref<1x128x64xf32, #tpu.memory_space<vmem>> -> memref<128x64xf32, #tpu.memory_space<vmem>>
        %dma_start3A_362 = arith.constant 0 : i32
        %dma_start3A_363 = tpu.memref_slice %arg5[%add3A_356, %dma_start3A_362] : memref<200x128xi32, #tpu.memory_space<vmem>> -> memref<1x128xi32, #tpu.memory_space<vmem>>
        %dma_start3A_364 = tpu.memref_squeeze %dma_start3A_363 : memref<1x128xi32, #tpu.memory_space<vmem>> -> memref<128xi32, #tpu.memory_space<vmem>>
        %dma_start3A_365 = arith.constant 0 : i32
        %dma_start3A_366 = arith.constant 0 : i32
        %dma_start3A_367 = tpu.memref_slice %arg3[%dma_start3A_365, %dma_start3A_366] : memref<2000000x64xf32, #tpu.memory_space<hbm>> -> memref<2000000x64xf32, #tpu.memory_space<hbm>>
        tpu.enqueue_indirect_dma source(%dma_start3A_367 : memref<2000000x64xf32, #tpu.memory_space<hbm>>) target(%dma_start3A_361 : memref<128x64xf32, #tpu.memory_space<vmem>>) offsets(%dma_start3A_364 : memref<128xi32, #tpu.memory_space<vmem>>) semaphore(%arg9 : memref<!tpu.dma_semaphore, #tpu.memory_space<semaphore_mem>>)
        %mul3A_368 = arith.constant 4 : i32
        %mul3A_369 = arith.muli %add3A_311, %mul3A_368 : i32
        %add3A_370 = arith.constant 3 : i32
        %add3A_371 = arith.addi %mul3A_369, %add3A_370 : i32
        %dma_start3A_372 = arith.constant 3 : i32
        %dma_start3A_373 = arith.constant 0 : i32
        %dma_start3A_374 = arith.constant 0 : i32
        %dma_start3A_375 = tpu.memref_slice %arg7[%dma_start3A_372, %dma_start3A_373, %dma_start3A_374] : memref<4x128x64xf32, #tpu.memory_space<vmem>> -> memref<1x128x64xf32, #tpu.memory_space<vmem>>
        %dma_start3A_376 = tpu.memref_squeeze %dma_start3A_375 : memref<1x128x64xf32, #tpu.memory_space<vmem>> -> memref<128x64xf32, #tpu.memory_space<vmem>>
        %dma_start3A_377 = arith.constant 0 : i32
        %dma_start3A_378 = tpu.memref_slice %arg5[%add3A_371, %dma_start3A_377] : memref<200x128xi32, #tpu.memory_space<vmem>> -> memref<1x128xi32, #tpu.memory_space<vmem>>
        %dma_start3A_379 = tpu.memref_squeeze %dma_start3A_378 : memref<1x128xi32, #tpu.memory_space<vmem>> -> memref<128xi32, #tpu.memory_space<vmem>>
        %dma_start3A_380 = arith.constant 0 : i32
        %dma_start3A_381 = arith.constant 0 : i32
        %dma_start3A_382 = tpu.memref_slice %arg3[%dma_start3A_380, %dma_start3A_381] : memref<2000000x64xf32, #tpu.memory_space<hbm>> -> memref<2000000x64xf32, #tpu.memory_space<hbm>>
        tpu.enqueue_indirect_dma source(%dma_start3A_382 : memref<2000000x64xf32, #tpu.memory_space<hbm>>) target(%dma_start3A_376 : memref<128x64xf32, #tpu.memory_space<vmem>>) offsets(%dma_start3A_379 : memref<128xi32, #tpu.memory_space<vmem>>) semaphore(%arg9 : memref<!tpu.dma_semaphore, #tpu.memory_space<semaphore_mem>>)
      } else {
      }
    }
    %scan3A_101 = arith.constant 25 : i32
    %dma_wait3A = arith.constant 0 : i32
    %dma_wait3A_102 = arith.constant 0 : i32
    %dma_wait3A_103 = tpu.memref_slice %arg4[%dma_wait3A, %dma_wait3A_102] : memref<819200x128xf32, #tpu.memory_space<hbm>> -> memref<512x64xf32, #tpu.memory_space<hbm>>
    %dma_wait3A_104 = arith.constant 0 : i32
    %dma_wait3A_105 = arith.constant 0 : i32
    %dma_wait3A_106 = tpu.memref_slice %arg4[%dma_wait3A_104, %dma_wait3A_105] : memref<819200x128xf32, #tpu.memory_space<hbm>> -> memref<512x64xf32, #tpu.memory_space<hbm>>
    tpu.wait_dma2 semaphore(%arg10 : memref<!tpu.dma_semaphore, #tpu.memory_space<semaphore_mem>>) src(%arg6 : memref<4x128x64xf32, #tpu.memory_space<vmem>>) dst(%dma_wait3A_106 : memref<512x64xf32, #tpu.memory_space<hbm>>)
    %dma_wait3A_107 = arith.constant 0 : i32
    %dma_wait3A_108 = arith.constant 0 : i32
    %dma_wait3A_109 = tpu.memref_slice %arg4[%dma_wait3A_107, %dma_wait3A_108] : memref<819200x128xf32, #tpu.memory_space<hbm>> -> memref<512x64xf32, #tpu.memory_space<hbm>>
    %dma_wait3A_110 = arith.constant 0 : i32
    %dma_wait3A_111 = arith.constant 0 : i32
    %dma_wait3A_112 = tpu.memref_slice %arg4[%dma_wait3A_110, %dma_wait3A_111] : memref<819200x128xf32, #tpu.memory_space<hbm>> -> memref<512x64xf32, #tpu.memory_space<hbm>>
    tpu.wait_dma2 semaphore(%arg11 : memref<!tpu.dma_semaphore, #tpu.memory_space<semaphore_mem>>) src(%arg7 : memref<4x128x64xf32, #tpu.memory_space<vmem>>) dst(%dma_wait3A_112 : memref<512x64xf32, #tpu.memory_space<hbm>>)
    return
  }
}

</mosaic_0001>

<sc_bundles>
// kernel: kernel.3.cloned.1.call-start
scs
__scs_entry_jumppad:
0x0: {  	(pc) =	sbr.rel $0x88, $3  }
0x1: {  	(tag) =	ssettag $0x0;
	lr =	simm.s32 $0x1  }
0x2: {  	[smem:$0x3F9F] =	sst lr;
	_ =	strace $0xD0000000  }
0x3: {  	_ = 	snop  }
0x4: {  	_ = 	snop  }
0x5: {  	_ = 	snop  }
0x6: {  	_ = 	snop  }
0x7: {  	_ = 	snop  }
__scs_overlays_trampoline_lowered:
0x8: {  	[smem:$0x3FAE] =	sst s0  }
0x9: {  	[smem:$0x3FAF] =	sst s1  }
0xa: {  	[smem:$0x3FB0] =	sst s2  }
0xb: {  	[smem:$0x3FB1] =	sst s3  }
0xc: {  	[smem:$0x3FB2] =	sst s4  }
0xd: {  	[smem:$0x3FB3] =	sst s5  }
0xe: {  	[smem:$0x3FB4] =	sst s6  }
0xf: {  	[smem:$0x3FB5] =	sst s7  }
0x10: {  	[smem:$0x3FB6] =	sst s8  }
0x11: {  	[smem:$0x3FB7] =	sst s9;
	s0 =	simm.s32 @!p0 $0x0  }
0x12: {  	s1 =	sld [smem:$0x3F9D];
	s0 =	simm.s32 @p0 $0x1  }
0x13: {  	[smem:$0x3FB8] =	sst s0;
	s0 =	simm.s32 @!p1 $0x0  }
0x14: {  	s2 =	sld [smem:$0x3F9C];
	s0 =	simm.s32 @p1 $0x1  }
0x15: {  	[smem:$0x3FB9] =	sst s0;
	s0 =	simm.s32 @!p2 $0x0  }
0x16: {  	s3 =	sld [smem:$0x3FDB];
	s0 =	simm.s32 @p2 $0x1  }
0x17: {  	s4 =	simm.s32 $0x1BF5;
	[smem:$0x3FBB] =	sst s0  }
0x18: {  	s0 =	sld [smem:$0x3F9E];
	_ =	swait.ge [sflag:s4], $0x0  }
0x19: {  	s7 =	sld [smem:$0x3F9F]  }
0x1a: {  	s8 =	sadd.s32 $0xFFFFE003, lr  }
0x1b: {  	s9 =	sadd.s32 $0xFFFFFEF7, lr;
	s5 =	simm.s32 $0xFFFFFFFF;
	p2 =	slt.u32 s8, $0xFFFFF086  }
0x1c: {  	p1 =	slt.u32 s9, $0xF7A;
	s5 =	simm.s32 @!p2 $0x0  }
0x1d: {  	s5 =	simm.s32 @p1 $0x1;
	p0 =	seq.s32 s7, s2  }
0x1e: {  	s7 =	smul.u32 @!p0 $0xF7A, s2;
	p2 =	seq.s32 @!p0 s5, $0x0  }
0x1f: {  	s9 =	smul.u32 $0xF7A, s1;
	s8 =	simm.s32 @!p0 $0x1BF5;
	p2 =	por !p2, p0  }
0x20: {  	[sflag:s8] =	ssyncset.s32 @!p0 $0xFFFFF086;
	s6 =	sadd.s32 @!p0 s3, s7;
	s7 =	simm.s32 @!p0 $0x108  }
0x21: {  	s3 =	sadd.s32 s3, s9;
	s6 =	sadd.s32 @!p0 $0x88, s6;
	s7 =	simm.s32 @p2 $0x1082  }
0x22: {  	[simem:s7], [sflag:s8] =	dma.local @!p0 [hbm:s6], $0xF7A  }
0x23: {  	s9 =	sor.u32 $0xD0000000, s2;
	s6 =	simm.s32 $0x108;
	_ =	swait.ge @!p0 [sflag:s8], $0x0  }
0x24: {  	s3 =	sadd.s32 $0x88, s3;
	s6 =	simm.s32 @!p1 $0x1082;
	[sflag:s4] =	ssyncset.s32 $0xFFFFF086  }
0x25: {  	[simem:s6], [sflag:s4] =	dma.local [hbm:s3], $0xF7A  }
0x26: {  	[smem:$0x3F9F] =	sst s1;
	(tag) =	ssettag s2;
	_ =	strace s9  }
0x27: {  	s1 =	sld [smem:$0x3FAF]  }
0x28: {  	s2 =	sld [smem:$0x3FB0]  }
0x29: {  	s4 =	sld [smem:$0x3FB2]  }
0x2a: {  	p0 =	seq.s32 s5, $0x0;
	s5 =	sld [smem:$0x3FB3]  }
0x2b: {  	s6 =	sld [smem:$0x3FB4]  }
0x2c: {  	s7 =	sld [smem:$0x3FB5]  }
0x2d: {  	s3 =	simm.s32 $0x108;
	s8 =	sld [smem:$0x3FB6]  }
0x2e: {  	s3 =	simm.s32 @!p0 $0x1082;
	s9 =	sld [smem:$0x3FB7]  }
0x2f: {  	lr =	sadd.s32 s0, s3;
	s0 =	sld [smem:$0x3FAE]  }
0x30: {  	s3 =	sld [smem:$0x3FB1]  }
0x31: {  	[smem:$0x3FBA] =	sst s10  }
0x32: {  	s10 =	sld [smem:$0x3FB8];
	_ =	sdelay $0x3  }
0x33: {  	p0 =	seq.s32 s10, $0x1;
	s10 =	sld [smem:$0x3FBA];
	_ =	sdelay $0x3  }
0x34: {  	[smem:$0x3FBA] =	sst s10  }
0x35: {  	s10 =	sld [smem:$0x3FB9];
	_ =	sdelay $0x3  }
0x36: {  	p1 =	seq.s32 s10, $0x1;
	s10 =	sld [smem:$0x3FBA];
	_ =	sdelay $0x3  }
0x37: {  	[smem:$0x3FBA] =	sst s10  }
0x38: {  	s10 =	sld [smem:$0x3FBB]  }
0x39: {  	_ = 	snop;
	(pc) =	sbr.ind lr, $3  }
0x3a: {  	_ = 	snop  }
0x3b: {  	_ = 	snop  }
0x3c: {  	p2 =	seq.s32 s10, $0x1;
	s10 =	sld [smem:$0x3FBA]  }
0x3d: {  	_ =	shalt  }
0x3e: {  	_ =	shalt  }
0x3f: {  	_ =	shalt  }
0x40: {  	_ =	shalt  }
0x41: {  	_ =	shalt  }
0x42: {  	_ =	shalt  }
0x43: {  	_ =	shalt  }
0x44: {  	_ =	shalt  }
0x45: {  	_ =	shalt  }
0x46: {  	_ =	shalt  }
0x47: {  	_ =	shalt  }
0x48: {  	_ =	shalt  }
0x49: {  	_ =	shalt  }
0x4a: {  	_ =	shalt  }
0x4b: {  	_ =	shalt  }
0x4c: {  	_ =	shalt  }
0x4d: {  	_ =	shalt  }
0x4e: {  	_ =	shalt  }
0x4f: {  	_ =	shalt  }
0x50: {  	_ =	shalt  }
0x51: {  	_ =	shalt  }
0x52: {  	_ =	shalt  }
0x53: {  	_ =	shalt  }
0x54: {  	_ =	shalt  }
0x55: {  	_ =	shalt  }
0x56: {  	_ =	shalt  }
0x57: {  	_ =	shalt  }
0x58: {  	_ =	shalt  }
0x59: {  	_ =	shalt  }
0x5a: {  	_ =	shalt  }
0x5b: {  	_ =	shalt  }
0x5c: {  	_ =	shalt  }
0x5d: {  	_ =	shalt  }
0x5e: {  	_ =	shalt  }
0x5f: {  	_ =	shalt  }
0x60: {  	_ =	shalt  }
0x61: {  	_ =	shalt  }
0x62: {  	_ =	shalt  }
0x63: {  	_ =	shalt  }
0x64: {  	_ =	shalt  }
0x65: {  	_ =	shalt  }
0x66: {  	_ =	shalt  }
0x67: {  	_ =	shalt  }
0x68: {  	_ =	shalt  }
0x69: {  	_ =	shalt  }
0x6a: {  	_ =	shalt  }
0x6b: {  	_ =	shalt  }
0x6c: {  	_ =	shalt  }
0x6d: {  	_ =	shalt  }
0x6e: {  	_ =	shalt  }
0x6f: {  	_ =	shalt  }
0x70: {  	_ =	shalt  }
0x71: {  	_ =	shalt  }
0x72: {  	_ =	shalt  }
0x73: {  	_ =	shalt  }
0x74: {  	_ =	shalt  }
0x75: {  	_ =	shalt  }
0x76: {  	_ =	shalt  }
0x77: {  	_ =	shalt  }
0x78: {  	_ =	shalt  }
0x79: {  	_ =	shalt  }
0x7a: {  	_ =	shalt  }
0x7b: {  	_ =	shalt  }
0x7c: {  	_ =	shalt  }
0x7d: {  	_ =	shalt  }
0x7e: {  	_ =	shalt  }
0x7f: {  	_ =	shalt  }
0x80: {  	_ =	shalt  }
0x81: {  	_ =	shalt  }
0x82: {  	_ =	shalt  }
0x83: {  	_ =	shalt  }
0x84: {  	_ =	shalt  }
0x85: {  	_ =	shalt  }
0x86: {  	_ =	shalt  }
0x87: {  	_ =	shalt  }
.Lfunc_end0:
.L_simem_size_0:
called_computation.2_lowered:
.L_overlay_start_0:
0x88: {  	s2 =	sld [smem:$0x3FD9]  }
0x89: {  	s3 =	sld [smem:$0x3FFE];
	_ =	sdelay $0x1  }
0x8a: {  	s1 =	srdreg.scid  }
0x8b: {  	s0 =	sand.u32 $0x1, s1  }
0x8c: {  	s17 =	sshll.u32 s0, $0xA;
	s2 =	sadd.s32 s3, s2  }
0x8d: {  	s2 =	sadd.s32 s2, s17  }
0x8e: {  	[smem:$0x3FC6] =	sst s2  }
0x8f: {  	_ = 	snop  }
0x90: {  	s2 =	sld [smem:$0x3FD0];
	(tm) =	ssettm $0x1  }
0x91: {  	s18 =	sld [smem:$0x3FFB];
	_ =	sdelay $0x3  }
0x92: {  	_ =	strace s18  }
0x93: {  	s3 =	sld [smem:$0x3FFC];
	_ =	sdelay $0x3  }
0x94: {  	_ =	strace s3  }
0x95: {  	s3 =	sld [smem:$0x3FFD];
	_ =	sdelay $0x3  }
0x96: {  	_ =	strace s3  }
0x97: {  	_ =	strace $0x8FFFFFFF  }
0x98: {  	s19 =	sld [smem:$0x3FDB];
	_ =	sdelay $0x1  }
0x99: {  	s4 =	simm.s32 $_scs_section_size  }
0x9a: {  	s5 =	simm.s32 $_size__tile_overlayer_lowered;
	s6 =	simm.s32 $_tile_overlayer_lowered  }
0x9b: {  	s22 =	simm.s32 $0x1BFF;
	s21 =	sshll.u32 s6, $0x1;
	s3 =	sadd.s32 s4, s19  }
0x9c: {  	s7 =	simm.s32 $0x0;
	s20 =	sshll.u32 s5, $0x1;
	s5 =	sadd.s32 s21, s3  }
0x9d: {  	[timem:s7], [sflag:s22] =	dma.local [hbm:s5], s20  }
0x9e: {  	_ =	swait.ge [sflag:s22], s20  }
0x9f: {  	s4 =	ssub.s32 $0x0, s20;
	[sflag:s22] =	ssyncset.done $0x0  }
0xa0: {  	[sflag:s22] =	ssyncadd.s32 s4;
	_ =	sdelay $0x1  }
0xa1: {  	s23 =	simm.s32 $0x1B8B  }
0xa2: {  	_ =	swait.ge [sflag:s23], $0x1  }
0xa3: {  	[sflag:s23] =	ssyncset.done $0x0  }
0xa4: {  	s25 =	simm.s32 $0x1B8E;
	s24 =	sld [smem:$0x3FFE];
	[sflag:s23] =	ssyncadd.s32 $0xFFFFFFFF  }
0xa5: {  	s26 =	simm.s32 $execute0_lowered;
	[smem:$0x3FD2] =	sst s25  }
0xa6: {  	s5 =	sshll.u32 s26, $0x1;
	_ =	strace $0x80000049;
	[dreg:$0x1] =	wrdreg $0xFFFFFFFF  }
0xa7: {  	s28 =	simm.s32 $_size_execute0_lowered;
	s3 =	sadd.s32 s3, s5;
	[dreg:$0x0] =	wrdreg $0x0  }
0xa8: {  	s5 =	sshll.u32 s28, $0x1;
	[dreg:$0x2] =	wrdreg s3  }
0xa9: {  	[dreg:$0x3] =	wrdreg s5  }
0xaa: {  	[dreg:$0x4] =	wrdreg $0xC0  }
0xab: {  	_ =	task [dreg:s7], $0x5FFFF  }
0xac: {  	[dreg:$0x1] =	wrdreg $0xFFFFFFFF  }
0xad: {  	[dreg:$0x0] =	wrdreg $0x60  }
0xae: {  	[dreg:$0x2] =	wrdreg s2  }
0xaf: {  	[dreg:$0x3] =	wrdreg s24  }
0xb0: {  	[dreg:$0x4] =	wrdreg $0x9  }
0xb1: {  	_ =	task.clear_ibuf [dreg:s7], $0x5FFFF;
	_ =	strace $0x90000049  }
0xb2: {  	s29 =	simm.s32 $0x9;
	_ =	strace $0x8000004B  }
0xb3: {  	_ =	swait.ge [sflag:s29], $0x1  }
0xb4: {  	[sflag:s29] =	ssyncadd.s32 $0xFFFFFFFF  }
0xb5: {  	_ =	strace $0x9000004B  }
0xb6: {  	_ =	sfence  }
0xb7: {  	s30 =	sld [smem:$0x0];
	_ =	sdelay $0x2  }
0xb8: {  	s31 =	sshll.u32 s1, $0xD;
	s1 =	sshrl.u32 s1, $0x2  }
0xb9: {  	s3 =	sand.u32 $0x4000, s31;
	s1 =	sadd.s32 s1, s30  }
0xba: {  	s0 =	sor.u32 s3, s0;
	s1 =	sshll.u32 s1, $0x11  }
0xbb: {  	s0 =	sor.u32 s1, s0  }
0xbc: {  	s0 =	sadd.s32 $0x8F2B, s0  }
0xbd: {  	[sflag:s0] =	ssyncadd.remote.s32 $0x1  }
0xbe: {  	_ =	sfence.sel $0xFFFF  }
0xbf: {  	[dreg:$0x0] =	wrdreg $0xFFFFFFFF;
	(pc) =	sbr.abs _section_cstart, $3  }
0xc0: {  	[dreg:$0x1] =	wrdreg $0xFFFFFFFF  }
0xc1: {  	_ =	task.clear_ibuf [dreg:s7], $0x2FFFF;
	_ =	strace $0x9FFFFFFF  }
0xc2: {  	(tm) =	ssettm $0x7FFFFFFF  }
0xc3: {  	_ =	shalt  }
tec
execute0_lowered:
.L_overlay_start_1:
0x0: {  	(tag) =	ssettag $0x1  }
0x1: {  	s0 =	rddreg [dreg:$0x0]  }
0x2: {  	s1 =	rddreg [dreg:$0x1];
	s2 =	simm.s32 $0x0  }
0x3: {  	s23 =	srdreg.scid;
	s11 =	stileid.u32;
	s15 =	simm.s32 $0x80  }
0x4: {  	s17 =	simm.s32 $0x5;
	s18 =	simm.s32 $0x6400;
	s19 =	simm.s32 $0x8400  }
0x5: {  	s21 =	simm.s32 $0xA400;
	s28 =	simm.s32 $0x10400;
	s30 =	simm.s32 $0x12400  }
0x6: {  	s16 =	simm.s32 $0x40;
	s20 =	simm.s32 $0x2;
	s22 =	simm.s32 $0x3  }
0x7: {  	[smem:$0x7FF] =	sst s2;
	s3 =	sadd.s32 $0xF43200, s1;
	s2 =	sand.u32 $0x1, s23  }
0x8: {  	s5 =	sshll.u32 s11, $0x8;
	s1 =	sadd.s32 $0xE00, s1;
	s12 =	sshll.u32 s11, $0xC  }
0x9: {  	s23 =	simm.s32 $0xC400;
	s4 =	ssub.s32 $0x2, s2;
	s6 =	sshll.u32 s2, $0x7  }
0xa: {  	_ =	strace $0x8000004A;
	s7 =	sshrl.u32 s4, $0x1;
	s5 =	sor.u32 s6, s5  }
0xb: {  	s2 =	sshll.u32 s2, $0xB;
	s24 =	ssub.s32 s4, s7;
	s25 =	sshrl.u32 s5, $0x3  }
0xc: {  	s26 =	sshll.u32 s5, $0x4;
	s0 =	sadd.s32 s0, s25;
	s5 =	smax.u32 s24, $0x1  }
0xd: {  	s29 =	sadd.s32 s26, s1;
	s1 =	sadd.s32 s12, s1;
	s25 =	simm.s32 $0xE400  }
0xe: {  	s24 =	simm.s32 $0x4;
	s26 =	simm.s32 $0x0;
	[dreg:$0x3] =	wrdreg s0  }
0xf: {  	s6 =	sadd.s32 $0xC00000, s29;
	s7 =	sadd.s32 $0xC10000, s29;
	s8 =	sadd.s32 $0xC20000, s29  }
0x10: {  	s9 =	sadd.s32 $0xC30000, s29;
	s10 =	sadd.s32 $0xC40000, s29;
	s11 =	sadd.s32 $0xC50000, s29  }
0x11: {  	s12 =	sadd.s32 $0xC60000, s29;
	s13 =	sadd.s32 $0xC70000, s29;
	s31 =	sadd.s32 s2, s1  }
0x12: {  	s0 =	simm.s32 $0x14400;
	s2 =	simm.s32 $0x1;
	s14 =	sadd.s32 $0x70000, s31  }
.LBB2_1:
0x13: {  	s1 =	simm.s32 $0x0;
	s4 =	rddreg [dreg:$0x3];
	s29 =	simm.s32 $0x1000  }
0x14: {  	[tilespmem:s1], [sflag:$0x5] =	stream.strided.gather [hbm4b:s4+s15], $0x6400, s29, s15, $0x38;
	[tilespmem:$0x16400] =	vst v63  }
0x15: {  	_ =	swait.ge [sflag:s17], $0x6400  }
0x16: {  	[sflag:s17] =	ssyncset.done $0x0  }
0x17: {  	[sflag:s17] =	ssyncadd.s32 $0xFFFF9C00  }
0x18: {  	[tilespmem:s18], [sflag:$0x1] =	stream.indirect.gather [hbm4b:s3+s15], $0x40, s1, s15, $0xb8;
	[tilespmem:$0x16400] =	vst v63  }
0x19: {  	_ = 	snop  }
0x1a: {  	[tilespmem:s19], [sflag:$0x1] =	stream.indirect.gather [hbm4b:s3+s15], $0x40, s15, s15, $0xb8;
	[tilespmem:$0x16400] =	vst v63  }
0x1b: {  	s4 =	simm.s32 $0x100  }
0x1c: {  	[tilespmem:s21], [sflag:$0x1] =	stream.indirect.gather [hbm4b:s3+s15], $0x40, s4, s15, $0xb8;
	[tilespmem:$0x16400] =	vst v63  }
0x1d: {  	s4 =	simm.s32 $0x180  }
0x1e: {  	[tilespmem:s23], [sflag:$0x1] =	stream.indirect.gather [hbm4b:s3+s15], $0x40, s4, s15, $0xb8;
	[tilespmem:$0x16400] =	vst v63  }
0x1f: {  	s4 =	simm.s32 $0x200  }
0x20: {  	[tilespmem:s25], [sflag:$0x2] =	stream.indirect.gather [hbm4b:s3+s15], $0x40, s4, s15, $0xb8;
	[tilespmem:$0x16400] =	vst v63  }
0x21: {  	s4 =	simm.s32 $0x280  }
0x22: {  	[tilespmem:s28], [sflag:$0x2] =	stream.indirect.gather [hbm4b:s3+s15], $0x40, s4, s15, $0xb8;
	[tilespmem:$0x16400] =	vst v63  }
0x23: {  	s4 =	simm.s32 $0x300  }
0x24: {  	[tilespmem:s30], [sflag:$0x2] =	stream.indirect.gather [hbm4b:s3+s15], $0x40, s4, s15, $0xb8;
	[tilespmem:$0x16400] =	vst v63  }
0x25: {  	s4 =	simm.s32 $0x380  }
0x26: {  	[tilespmem:s0], [sflag:$0x2] =	stream.indirect.gather [hbm4b:s3+s15], $0x40, s4, s15, $0xb8;
	[tilespmem:$0x16400] =	vst v63  }
0x27: {  	_ =	swait.ge [sflag:s2], $0x8000  }
0x28: {  	[sflag:s2] =	ssyncset.done $0x0  }
0x29: {  	s4 =	sadd.s32 $0xFFF90000, s14;
	[sflag:s2] =	ssyncadd.s32 $0xFFFF8000  }
0x2a: {  	[hbm4b:s4+s16] =	stream.strided.scatter [tilespmem:s18], [sflag:$0x3], $0x2000, s15, s16, $0x38;
	[tilespmem:$0x16400] =	vst v63  }
0x2b: {  	s4 =	sadd.s32 $0xFFFA0000, s14  }
0x2c: {  	[hbm4b:s4+s16] =	stream.strided.scatter [tilespmem:s19], [sflag:$0x3], $0x2000, s15, s16, $0x38;
	[tilespmem:$0x16400] =	vst v63  }
0x2d: {  	s4 =	sadd.s32 $0xFFFB0000, s14  }
0x2e: {  	[hbm4b:s4+s16] =	stream.strided.scatter [tilespmem:s21], [sflag:$0x3], $0x2000, s15, s16, $0x38;
	[tilespmem:$0x16400] =	vst v63  }
0x2f: {  	s4 =	sadd.s32 $0xFFFC0000, s14  }
0x30: {  	[hbm4b:s4+s16] =	stream.strided.scatter [tilespmem:s23], [sflag:$0x3], $0x2000, s15, s16, $0x38;
	[tilespmem:$0x16400] =	vst v63  }
0x31: {  	_ =	swait.ge [sflag:s20], $0x8000  }
0x32: {  	[sflag:s20] =	ssyncset.done $0x0  }
0x33: {  	s4 =	sadd.s32 $0xFFFD0000, s14;
	[sflag:s20] =	ssyncadd.s32 $0xFFFF8000  }
0x34: {  	[hbm4b:s4+s16] =	stream.strided.scatter [tilespmem:s25], [sflag:$0x4], $0x2000, s15, s16, $0x38;
	[tilespmem:$0x16400] =	vst v63  }
0x35: {  	s4 =	sadd.s32 $0xFFFE0000, s14  }
0x36: {  	[hbm4b:s4+s16] =	stream.strided.scatter [tilespmem:s28], [sflag:$0x4], $0x2000, s15, s16, $0x38;
	[tilespmem:$0x16400] =	vst v63  }
0x37: {  	s4 =	sadd.s32 $0xFFFF0000, s14  }
0x38: {  	[hbm4b:s4+s16] =	stream.strided.scatter [tilespmem:s30], [sflag:$0x4], $0x2000, s15, s16, $0x38;
	[tilespmem:$0x16400] =	vst v63  }
0x39: {  	_ = 	snop  }
0x3a: {  	[hbm4b:s14+s16] =	stream.strided.scatter [tilespmem:s0], [sflag:$0x4], $0x2000, s15, s16, $0x38;
	[tilespmem:$0x16400] =	vst v63  }
0x3b: {  	_ =	swait.ge [sflag:s22], $0x8000  }
0x3c: {  	[sflag:s22] =	ssyncset.done $0x0  }
0x3d: {  	s4 =	simm.s32 $0x400;
	[sflag:s22] =	ssyncadd.s32 $0xFFFF8000  }
0x3e: {  	[tilespmem:s18], [sflag:$0x1] =	stream.indirect.gather [hbm4b:s3+s15], $0x40, s4, s15, $0xb8;
	[tilespmem:$0x16400] =	vst v63  }
0x3f: {  	s4 =	simm.s32 $0x480  }
0x40: {  	[tilespmem:s19], [sflag:$0x1] =	stream.indirect.gather [hbm4b:s3+s15], $0x40, s4, s15, $0xb8;
	[tilespmem:$0x16400] =	vst v63  }
0x41: {  	s4 =	simm.s32 $0x500  }
0x42: {  	[tilespmem:s21], [sflag:$0x1] =	stream.indirect.gather [hbm4b:s3+s15], $0x40, s4, s15, $0xb8;
	[tilespmem:$0x16400] =	vst v63  }
0x43: {  	s4 =	simm.s32 $0x580  }
0x44: {  	[tilespmem:s23], [sflag:$0x1] =	stream.indirect.gather [hbm4b:s3+s15], $0x40, s4, s15, $0xb8;
	[tilespmem:$0x16400] =	vst v63  }
0x45: {  	_ =	swait.ge [sflag:s24], $0x8000  }
0x46: {  	[sflag:s24] =	ssyncset.done $0x0  }
0x47: {  	s4 =	simm.s32 $0x600;
	[sflag:s24] =	ssyncadd.s32 $0xFFFF8000  }
0x48: {  	[tilespmem:s25], [sflag:$0x2] =	stream.indirect.gather [hbm4b:s3+s15], $0x40, s4, s15, $0xb8;
	[tilespmem:$0x16400] =	vst v63  }
0x49: {  	s31 =	sadd.s32 $0x80000, s14;
	s4 =	simm.s32 $0x680  }
0x4a: {  	[tilespmem:s28], [sflag:$0x2] =	stream.indirect.gather [hbm4b:s3+s15], $0x40, s4, s15, $0xb8;
	[tilespmem:$0x16400] =	vst v63  }
0x4b: {  	s29 =	simm.s32 $0x1000;
	s1 =	simm.s32 $0x780;
	s4 =	simm.s32 $0x700  }
0x4c: {  	[tilespmem:s30], [sflag:$0x2] =	stream.indirect.gather [hbm4b:s3+s15], $0x40, s4, s15, $0xb8;
	[tilespmem:$0x16400] =	vst v63  }
.LBB2_2:
0x4d: {  	[tilespmem:s0], [sflag:$0x2] =	stream.indirect.gather [hbm4b:s3+s15], $0x40, s1, s15, $0xb8;
	[tilespmem:$0x16400] =	vst v63  }
0x4e: {  	s1 =	smov.u32 s29  }
0x4f: {  	p0 =	sne.s32 s29, $0x17000;
	s29 =	sadd.s32 $0x1000, s29;
	_ =	swait.ge [sflag:s2], $0x8000  }
0x50: {  	[sflag:s2] =	ssyncset.done $0x0  }
0x51: {  	s4 =	sadd.s32 $0xFFF90000, s31;
	[sflag:s2] =	ssyncadd.s32 $0xFFFF8000  }
0x52: {  	[hbm4b:s4+s16] =	stream.strided.scatter [tilespmem:s18], [sflag:$0x3], $0x2000, s15, s16, $0x38;
	[tilespmem:$0x16400] =	vst v63  }
0x53: {  	s4 =	sadd.s32 $0xFFFA0000, s31  }
0x54: {  	[hbm4b:s4+s16] =	stream.strided.scatter [tilespmem:s19], [sflag:$0x3], $0x2000, s15, s16, $0x38;
	[tilespmem:$0x16400] =	vst v63  }
0x55: {  	s4 =	sadd.s32 $0xFFFB0000, s31  }
0x56: {  	[hbm4b:s4+s16] =	stream.strided.scatter [tilespmem:s21], [sflag:$0x3], $0x2000, s15, s16, $0x38;
	[tilespmem:$0x16400] =	vst v63  }
0x57: {  	s4 =	sadd.s32 $0xFFFC0000, s31  }
0x58: {  	[hbm4b:s4+s16] =	stream.strided.scatter [tilespmem:s23], [sflag:$0x3], $0x2000, s15, s16, $0x38;
	[tilespmem:$0x16400] =	vst v63  }
0x59: {  	_ =	swait.ge [sflag:s20], $0x8000  }
0x5a: {  	[sflag:s20] =	ssyncset.done $0x0  }
0x5b: {  	s4 =	sadd.s32 $0xFFFD0000, s31;
	[sflag:s20] =	ssyncadd.s32 $0xFFFF8000  }
0x5c: {  	[hbm4b:s4+s16] =	stream.strided.scatter [tilespmem:s25], [sflag:$0x4], $0x2000, s15, s16, $0x38;
	[tilespmem:$0x16400] =	vst v63  }
0x5d: {  	s4 =	sadd.s32 $0xFFFE0000, s31  }
0x5e: {  	[hbm4b:s4+s16] =	stream.strided.scatter [tilespmem:s28], [sflag:$0x4], $0x2000, s15, s16, $0x38;
	[tilespmem:$0x16400] =	vst v63  }
0x5f: {  	s4 =	sadd.s32 $0xFFFF0000, s31  }
0x60: {  	[hbm4b:s4+s16] =	stream.strided.scatter [tilespmem:s30], [sflag:$0x4], $0x2000, s15, s16, $0x38;
	[tilespmem:$0x16400] =	vst v63  }
0x61: {  	_ = 	snop  }
0x62: {  	[hbm4b:s31+s16] =	stream.strided.scatter [tilespmem:s0], [sflag:$0x4], $0x2000, s15, s16, $0x38;
	[tilespmem:$0x16400] =	vst v63  }
0x63: {  	_ =	swait.ge [sflag:s22], $0x8000  }
0x64: {  	s1 =	sshra.s32 s1, $0x2;
	[sflag:s22] =	ssyncset.done $0x0  }
0x65: {  	s4 =	sadd.s32 $0x400, s1;
	[sflag:s22] =	ssyncadd.s32 $0xFFFF8000  }
0x66: {  	[tilespmem:s18], [sflag:$0x1] =	stream.indirect.gather [hbm4b:s3+s15], $0x40, s4, s15, $0xb8;
	[tilespmem:$0x16400] =	vst v63  }
0x67: {  	s4 =	sadd.s32 $0x480, s1  }
0x68: {  	[tilespmem:s19], [sflag:$0x1] =	stream.indirect.gather [hbm4b:s3+s15], $0x40, s4, s15, $0xb8;
	[tilespmem:$0x16400] =	vst v63  }
0x69: {  	s4 =	sadd.s32 $0x500, s1  }
0x6a: {  	[tilespmem:s21], [sflag:$0x1] =	stream.indirect.gather [hbm4b:s3+s15], $0x40, s4, s15, $0xb8;
	[tilespmem:$0x16400] =	vst v63  }
0x6b: {  	s4 =	sadd.s32 $0x580, s1  }
0x6c: {  	[tilespmem:s23], [sflag:$0x1] =	stream.indirect.gather [hbm4b:s3+s15], $0x40, s4, s15, $0xb8;
	[tilespmem:$0x16400] =	vst v63  }
0x6d: {  	_ =	swait.ge [sflag:s24], $0x8000  }
0x6e: {  	[sflag:s24] =	ssyncset.done $0x0  }
0x6f: {  	s4 =	sadd.s32 $0x600, s1;
	[sflag:s24] =	ssyncadd.s32 $0xFFFF8000  }
0x70: {  	[tilespmem:s25], [sflag:$0x2] =	stream.indirect.gather [hbm4b:s3+s15], $0x40, s4, s15, $0xb8;
	[tilespmem:$0x16400] =	vst v63  }
.Ltmp0:
0x71: {  	s4 =	sadd.s32 $0x680, s1;
	(pc) =	sbr.rel @p0 .LBB2_2-.Ltmp0, $4  }
0x72: {  	[tilespmem:s28], [sflag:$0x2] =	stream.indirect.gather [hbm4b:s3+s15], $0x40, s4, s15, $0xb8;
	[tilespmem:$0x16400] =	vst v63  }
0x73: {  	s4 =	sadd.s32 $0x700, s1  }
0x74: {  	[tilespmem:s30], [sflag:$0x2] =	stream.indirect.gather [hbm4b:s3+s15], $0x40, s4, s15, $0xb8;
	[tilespmem:$0x16400] =	vst v63  }
0x75: {  	s31 =	sadd.s32 $0x80000, s31;
	s1 =	sadd.s32 $0x780, s1  }
0x76: {  	[tilespmem:s0], [sflag:$0x2] =	stream.indirect.gather [hbm4b:s3+s15], $0x40, s1, s15, $0xb8;
	[tilespmem:$0x16400] =	vst v63  }
0x77: {  	_ =	swait.ge [sflag:s2], $0x8000  }
0x78: {  	[sflag:s2] =	ssyncset.done $0x0  }
0x79: {  	[sflag:s2] =	ssyncadd.s32 $0xFFFF8000  }
0x7a: {  	[hbm4b:s6+s16] =	stream.strided.scatter [tilespmem:s18], [sflag:$0x3], $0x2000, s15, s16, $0x38;
	[tilespmem:$0x16400] =	vst v63  }
0x7b: {  	_ = 	snop  }
0x7c: {  	[hbm4b:s7+s16] =	stream.strided.scatter [tilespmem:s19], [sflag:$0x3], $0x2000, s15, s16, $0x38;
	[tilespmem:$0x16400] =	vst v63  }
0x7d: {  	_ = 	snop  }
0x7e: {  	[hbm4b:s8+s16] =	stream.strided.scatter [tilespmem:s21], [sflag:$0x3], $0x2000, s15, s16, $0x38;
	[tilespmem:$0x16400] =	vst v63  }
0x7f: {  	_ = 	snop  }
0x80: {  	[hbm4b:s9+s16] =	stream.strided.scatter [tilespmem:s23], [sflag:$0x3], $0x2000, s15, s16, $0x38;
	[tilespmem:$0x16400] =	vst v63  }
0x81: {  	_ =	swait.ge [sflag:s20], $0x8000  }
0x82: {  	[sflag:s20] =	ssyncset.done $0x0  }
0x83: {  	[sflag:s20] =	ssyncadd.s32 $0xFFFF8000  }
0x84: {  	[hbm4b:s10+s16] =	stream.strided.scatter [tilespmem:s25], [sflag:$0x4], $0x2000, s15, s16, $0x38;
	[tilespmem:$0x16400] =	vst v63  }
0x85: {  	_ = 	snop  }
0x86: {  	[hbm4b:s11+s16] =	stream.strided.scatter [tilespmem:s28], [sflag:$0x4], $0x2000, s15, s16, $0x38;
	[tilespmem:$0x16400] =	vst v63  }
0x87: {  	_ = 	snop  }
0x88: {  	[hbm4b:s12+s16] =	stream.strided.scatter [tilespmem:s30], [sflag:$0x4], $0x2000, s15, s16, $0x38;
	[tilespmem:$0x16400] =	vst v63  }
0x89: {  	s26 =	sadd.s32 $0x1, s26  }
0x8a: {  	[hbm4b:s13+s16] =	stream.strided.scatter [tilespmem:s0], [sflag:$0x4], $0x2000, s15, s16, $0x38;
	[tilespmem:$0x16400] =	vst v63  }
0x8b: {  	p0 =	sne.s32 s26, s5;
	_ =	swait.ge [sflag:s22], $0x8000  }
.Ltmp1:
0x8c: {  	[sflag:s22] =	ssyncset.done $0x0;
	(pc) =	sbr.rel @p0 .LBB2_1-.Ltmp1, $4  }
0x8d: {  	[sflag:s22] =	ssyncadd.s32 $0xFFFF8000  }
0x8e: {  	_ =	swait.ge [sflag:s24], $0x8000  }
0x8f: {  	[sflag:s24] =	ssyncset.done $0x0  }
0x90: {  	[sflag:s24] =	ssyncadd.s32 $0xFFFF8000  }
0x91: {  	_ =	sfence.sel $0x180000  }
0x92: {  	[bflag:$0x0] =	sbarrier.arrive $0xFFFF  }
0x93: {  	_ =	strace $0x9000004A  }
0x94: {  	s0 =	stileid.u32;
	[bflag:$0x2] =	sbarrier.arrive $0xFFFF  }
0x95: {  	p0 =	sne.s32 s0, $0x0;
	s0 =	rddreg [dreg:$0x2]  }
0x96: {  	s0 =	sadd.s32 @!p0 $0x100000, s0  }
0x97: {  	[sflag:s0] =	ssyncadd.tile.s32 @!p0 $0x1;
	_ =	shalt  }
.Lfunc_end2:
_tile_overlayer_lowered:
.L_overlay_start_2:
0x98: {  	(tag) =	ssettag $0x2  }
0x99: {  	s0 =	rddreg [dreg:$0x0];
	s2 =	stileid.u32  }
0x9a: {  	s1 =	rddreg [dreg:$0x1];
	p0 =	sne.s32 s2, $0x0  }
0x9b: {  	s3 =	rddreg [dreg:$0x2];
	[bflag:$0x3] =	sbarrier.arrive $0xFFFF;
	s2 =	simm.s32 @!p0 $0x1C05  }
0x9c: {  	[timem:s3], [sflag:s2] =	dma.local @!p0 [hbm:s0], s1  }
0x9d: {  	s0 =	simm.s32 @!p0 $0x5  }
0x9e: {  	_ =	swait.ge @!p0 [sflag:s0], s1  }
0x9f: {  	s1 =	ssub.s32 @!p0 $0x0, s1;
	[sflag:s0] =	ssyncset.done @!p0 $0x0  }
0xa0: {  	[sflag:s0] =	ssyncadd.s32 @!p0 s1  }
0xa1: {  	[bflag:$0x3] =	sbarrier.arrive $0xFFFF  }
0xa2: {  	_ =	shalt  }

// kernel: sparse-core-data-format-call.1.cloned.1.call-start
scs
called_computation.1_lowered:
.L_overlay_start_0:
0x0: {  	s2 =	sld [smem:$0x3FD9]  }
0x1: {  	s3 =	sld [smem:$0x3FFE];
	_ =	sdelay $0x1  }
0x2: {  	s1 =	srdreg.scid  }
0x3: {  	s0 =	sand.u32 $0x1, s1  }
0x4: {  	s18 =	sshll.u32 s0, $0xA;
	s2 =	sadd.s32 s3, s2  }
0x5: {  	s2 =	sadd.s32 s2, s18  }
0x6: {  	[smem:$0x3FC6] =	sst s2  }
0x7: {  	_ = 	snop  }
0x8: {  	s2 =	sld [smem:$0x3FC8];
	(tm) =	ssettm $0x1  }
0x9: {  	s19 =	sld [smem:$0x3FFB];
	_ =	sdelay $0x3  }
0xa: {  	_ =	strace s19  }
0xb: {  	s3 =	sld [smem:$0x3FFC];
	_ =	sdelay $0x3  }
0xc: {  	_ =	strace s3  }
0xd: {  	s3 =	sld [smem:$0x3FFD];
	_ =	sdelay $0x3  }
0xe: {  	_ =	strace s3  }
0xf: {  	_ =	strace $0x8FFFFFFF  }
0x10: {  	s20 =	sld [smem:$0x3FDB];
	_ =	sdelay $0x1  }
0x11: {  	s4 =	simm.s32 $_scs_section_size  }
0x12: {  	s5 =	simm.s32 $_size__tile_overlayer_lowered;
	s6 =	simm.s32 $_tile_overlayer_lowered  }
0x13: {  	s23 =	simm.s32 $0x1BFF;
	s22 =	sshll.u32 s6, $0x1;
	s3 =	sadd.s32 s4, s20  }
0x14: {  	s7 =	simm.s32 $0x0;
	s21 =	sshll.u32 s5, $0x1;
	s5 =	sadd.s32 s22, s3  }
0x15: {  	[timem:s7], [sflag:s23] =	dma.local [hbm:s5], s21  }
0x16: {  	_ =	swait.ge [sflag:s23], s21  }
0x17: {  	s4 =	ssub.s32 $0x0, s21;
	[sflag:s23] =	ssyncset.done $0x0  }
0x18: {  	[sflag:s23] =	ssyncadd.s32 s4;
	_ =	sdelay $0x1  }
0x19: {  	s24 =	simm.s32 $0x1B8B  }
0x1a: {  	_ =	swait.ge [sflag:s24], $0x1  }
0x1b: {  	[sflag:s24] =	ssyncset.done $0x0  }
0x1c: {  	s26 =	simm.s32 $0x1B8E;
	s25 =	sld [smem:$0x3FFE];
	[sflag:s24] =	ssyncadd.s32 $0xFFFFFFFF  }
0x1d: {  	s27 =	simm.s32 $execute0_lowered;
	[smem:$0x3FD2] =	sst s26  }
0x1e: {  	s5 =	sshll.u32 s27, $0x1;
	_ =	strace $0x80000046;
	[dreg:$0x1] =	wrdreg $0xFFFFFFFF  }
0x1f: {  	s28 =	simm.s32 $_size_execute0_lowered;
	s3 =	sadd.s32 s3, s5;
	[dreg:$0x0] =	wrdreg $0x0  }
0x20: {  	s5 =	sshll.u32 s28, $0x1;
	[dreg:$0x2] =	wrdreg s3  }
0x21: {  	[dreg:$0x3] =	wrdreg s5  }
0x22: {  	[dreg:$0x4] =	wrdreg $0xC0  }
0x23: {  	_ =	task [dreg:s7], $0x5FFFF  }
0x24: {  	[dreg:$0x1] =	wrdreg $0xFFFFFFFF  }
0x25: {  	[dreg:$0x0] =	wrdreg $0x60  }
0x26: {  	[dreg:$0x2] =	wrdreg s2  }
0x27: {  	[dreg:$0x3] =	wrdreg s25  }
0x28: {  	[dreg:$0x4] =	wrdreg $0x9  }
0x29: {  	_ =	task.clear_ibuf [dreg:s7], $0x5FFFF;
	_ =	strace $0x90000046  }
0x2a: {  	s29 =	simm.s32 $0x9;
	_ =	strace $0x80000048  }
0x2b: {  	_ =	swait.ge [sflag:s29], $0x1  }
0x2c: {  	[sflag:s29] =	ssyncadd.s32 $0xFFFFFFFF  }
0x2d: {  	_ =	strace $0x90000048  }
0x2e: {  	_ =	sfence  }
0x2f: {  	s30 =	sld [smem:$0x0];
	_ =	sdelay $0x2  }
0x30: {  	s31 =	sshll.u32 s1, $0xD;
	s1 =	sshrl.u32 s1, $0x2  }
0x31: {  	s3 =	sand.u32 $0x4000, s31;
	s1 =	sadd.s32 s1, s30  }
0x32: {  	s0 =	sor.u32 s3, s0;
	s1 =	sshll.u32 s1, $0x11  }
0x33: {  	s0 =	sor.u32 s1, s0  }
0x34: {  	s0 =	sadd.s32 $0x8F2B, s0  }
0x35: {  	[sflag:s0] =	ssyncadd.remote.s32 $0x1  }
0x36: {  	_ =	sfence.sel $0xFFFF  }
0x37: {  	[dreg:$0x0] =	wrdreg $0xFFFFFFFF;
	(pc) =	sbr.abs _section_cstart, $3  }
0x38: {  	[dreg:$0x1] =	wrdreg $0xFFFFFFFF  }
0x39: {  	_ =	task.clear_ibuf [dreg:s7], $0x2FFFF;
	_ =	strace $0x9FFFFFFF  }
0x3a: {  	(tm) =	ssettm $0x7FFFFFFF  }
0x3b: {  	_ =	shalt  }
tec
execute0_lowered:
.L_overlay_start_1:
0x0: {  	(tag) =	ssettag $0x1  }
0x1: {  	s0 =	srdreg.scid;
	s2 =	rddreg [dreg:$0x0]  }
0x2: {  	s5 =	rddreg [dreg:$0x1];
	s1 =	stileid.u32  }
0x3: {  	s4 =	simm.s32 $0x1;
	s6 =	simm.s32 $0x2;
	s15 =	simm.s32 $0x0  }
0x4: {  	p0 =	por $0x0, $0x0;
	s8 =	simm.s32 $0x80;
	s0 =	sshll.u32 s0, $0x4  }
0x5: {  	s14 =	simm.s32 $0x0;
	s9 =	simm.s32 $0x0;
	s3 =	sand.u32 $0x10, s0  }
.Ltmp0:
0x6: {  	s10 =	simm.s32 $0x0;
	s3 =	sor.u32 s1, s3;
	(pc) =	sbr.rel .LBB1_1-.Ltmp0, $4  }
0x7: {  	s0 =	rddreg [dreg:$0x2];
	_ =	strace $0x80000047;
	s3 =	sshll.u32 s3, $0x7  }
0x8: {  	s12 =	simm.s32 $0x0;
	[sflag:s4] =	ssyncpa.u1 $0x0;
	s7 =	ssub.s32 $0xF4200, s3  }
0x9: {  	s13 =	simm.s32 $0x0;
	[sflag:s6] =	ssyncpa.u1 $0x0;
	s6 =	sshrl.u32 s7, $0xC  }
0xa: {  	s5 =	sadd.s32 $0xE00, s5;
	s11 =	smov.u32 s3;
	s7 =	sadd.s32 $0x2, s6  }
.LBB1_5:
0xb: {  	p1 =	slt.u32 s13, $0x2  }
0xc: {  	s17 =	smov.u32 s15;
	p2 =	sgt.s32 @!p1 s15, $0xF41C0;
	s16 =	sshra.s32 @!p1 s15, $0x1F  }
0xd: {  	p3 =	sgt.s32 @!p1 s14, $0x40;
	s18 =	sshra.s32 @!p1 s14, $0x1F;
	p2 =	por !p2, p1  }
0xe: {  	s15 =	sand.u32 @!p1 s16, s15;
	p3 =	por !p3, p1;
	s16 =	smov.u32 s14  }
0xf: {  	s14 =	sand.u32 @!p1 s18, s14;
	s17 =	simm.s32 @p2 $0xF41C0;
	s16 =	simm.s32 @p3 $0x40  }
0x10: {  	s15 =	ssub.s32 @!p1 s17, s15;
	s14 =	ssub.s32 @!p1 s16, s14  }
0x11: {  	s18 =	smov.u32 s12;
	s16 =	sadd.s32 @!p1 $0xFFF0BE40, s15;
	s17 =	sadd.s32 @!p1 $0xFFFFFFC0, s14  }
0x12: {  	s15 =	ssub.s32 @!p1 $0xF4240, s15;
	p2 =	sgt.s32 @!p1 s16, $0x7F;
	p3 =	sgt.s32 @!p1 s17, $0x3F  }
0x13: {  	s14 =	ssub.s32 @!p1 $0x80, s14;
	p2 =	por !p2, p1;
	p3 =	por !p3, p1  }
0x14: {  	s16 =	sadd.s32 $0x1000, s11;
	s15 =	simm.s32 @!p2 $0x0;
	s14 =	simm.s32 @!p3 $0x0  }
0x15: {  	p2 =	sgt.s32 s16, $0xF423F;
	s14 =	smul.u32 @!p1 s14, s15;
	s15 =	sadd.s32 $0x40, s12  }
0x16: {  	s18 =	smov.u32 @p2 s15  }
0x17: {  	s16 =	smov.u32 @p2 s3;
	p2 =	sgt.s32 s18, $0x3F  }
0x18: {  	s18 =	simm.s32 @p2 $0x0;
	p2 =	sne.s32 s13, s7  }
.Ltmp1:
0x19: {  	p0 =	por !p0, !p0;
	s17 =	simm.s32 @!p1 $0x2;
	(pc) =	sbr.rel @!p2 .LBB1_6-.Ltmp1, $4  }
0x1a: {  	s15 =	smov.u32 s9;
	s9 =	smov.u32 s11;
	s14 =	sand.u32 @!p1 $0x3FFFFFFF, s14  }
0x1b: {  	s11 =	smov.u32 s16;
	_ =	swait.ge @!p1 [sflag:s17], s14;
	s19 =	ssub.s32 @!p1 $0x0, s14  }
0x1c: {  	s14 =	smov.u32 s10;
	s13 =	sadd.s32 $0x1, s13;
	[sflag:s17] =	ssyncset.done @!p1 $0x0  }
0x1d: {  	s10 =	smov.u32 s12;
	s12 =	smov.u32 s18;
	[sflag:s17] =	ssyncadd.s32 @!p1 s19  }
.LBB1_1:
0x1e: {  	p1 =	sgt.u32 s13, s6  }
0x1f: {  	s16 =	sshrl.u32 @!p1 s12, $0x3  }
0x20: {  	s17 =	sshll.u32 @!p1 s11, $0x3;
	s16 =	smul.u32 @!p1 $0x7A1400, s16  }
0x21: {  	s18 =	sshll.u32 @!p1 s12, $0x7;
	s17 =	sand.u32 @!p1 $0xFFFFFC00, s17  }
0x22: {  	s16 =	sadd.s32 @!p1 s16, s17;
	s17 =	sand.u32 @!p1 $0x380, s18  }
0x23: {  	s18 =	sand.u32 @!p1 $0x7F, s11;
	s16 =	sor.u32 @!p1 s17, s16  }
0x24: {  	s17 =	sor.u32 @!p1 s18, s16  }
0x25: {  	s18 =	smulhi.u32 @!p1 $0x218D6287, s17;
	_ =	sdelay $0x1  }
0x26: {  	s16 =	smulhi.u32 @!p1 $0x218D6287, s16;
	s18 =	sshrl.u32 @!p1 s18, $0x11  }
0x27: {  	s18 =	smul.u32 @!p1 $0xF4280, s18  }
0x28: {  	s19 =	sxor.u32 @!p1 $0xFFFFFFFF, s13;
	s16 =	sshrl.u32 @!p1 s16, $0x11  }
0x29: {  	s19 =	sshll.u32 @!p1 s19, $0xD;
	s16 =	sand.u32 @!p1 $0x3F, s16;
	s17 =	ssub.s32 @!p1 s17, s18  }
0x2a: {  	s16 =	smul.u32 @!p1 $0x1E850, s16;
	s18 =	sshrl.u32 @!p1 s17, $0x3;
	s17 =	sand.u32 @!p1 $0x7, s17  }
0x2b: {  	s19 =	sand.u32 @!p1 $0x2000, s19;
	s18 =	sadd.s32 @!p1 s2, s18;
	s17 =	sshll.u32 @!p1 s17, $0x12  }
0x2c: {  	s16 =	sadd.s32 @!p1 s16, s18;
	s17 =	sor.u32 @!p1 $0x400, s17;
	s18 =	simm.s32 @!p1 $0x7A1400  }
0x2d: {  	[tilespmem:s19], [sflag:$0x1] =	stream.strided.gather @!p1 [hbm4b:s16+s17], $0x2000, s18, s17, $0x38;
	[tilespmem:$0x8100] =	vst v63  }
0x2e: {  	p1 =	seq.s32 s13, $0x0  }
0x2f: {  	p2 =	sge.u32 @!p1 s13, s7  }
0x30: {  	p1 =	por p1, p2  }
.Ltmp2:
0x31: {  	_ = 	snop;
	(pc) =	sbr.rel @p1 .LBB1_5-.Ltmp2, $1  }
0x32: {  	_ =	sdelay $0x3  }
0x33: {  	s16 =	simm.s32 $0x1  }
0x34: {  	_ =	swait.ge [sflag:s4], $0x2000;
	s16 =	simm.s32 @!p0 $0x0  }
0x35: {  	[sflag:s4] =	ssyncset.done $0x0;
	s17 =	sshll.u32 s16, $0xD  }
0x36: {  	[sflag:s4] =	ssyncadd.s32 $0xFFFFE000;
	s17 =	sor.u32 $0x40, s17  }
0x37: {  	s16 =	smul.u32 $0x8200, s16;
	v0 =	vld [tilespmem:s17+$0x30]  }
0x38: {  	v1 =	vld [tilespmem:s17+$0xFFFFFFD0]  }
0x39: {  	s16 =	sshrl.u32 s16, $0x2;
	v5 =	vld [tilespmem:s17+$0xFFFFFFE0]  }
0x3a: {  	v6 =	vld [tilespmem:s17+$0xFFFFFFF0];
	s19 =	sor.u32 $0x4000, s16  }
0x3b: {  	s31 =	sand.u32 $0x1, s13;
	v4 =	vld [tilespmem:s17+$0x0];
	s18 =	sadd.s32 $0x0, s19  }
0x3c: {  	v3 =	vld [tilespmem:s17+$0x10];
	s16 =	smul.u32 $0x8200, s31;
	[tilespmem:s18+$0x1C70 ss:$0x41] =	vst.msk $0xffff, v0  }
0x3d: {  	v2 =	vld [tilespmem:s17+$0x20];
	[tilespmem:s18+$0x410 ss:$0x41] =	vst.msk $0xffff, v1  }
0x3e: {  	s16 =	sshrl.u32 s16, $0x2;
	v1 =	vld [tilespmem:s17+$0xFFFFFFC0];
	[tilespmem:s18+$0x820 ss:$0x41] =	vst.msk $0xffff, v5;
	s17 =	sadd.s32 $0x80, s17  }
0x3f: {  	s20 =	simm.s32 $0x4;
	s21 =	simm.s32 $0x8;
	s16 =	sor.u32 $0x4000, s16;
	[tilespmem:s18+$0xC30 ss:$0x41] =	vst.msk $0xffff, v6;
	v0 =	vld [tilespmem:s17+$0x30]  }
.LBB1_3:
0x40: {  	p1 =	sne.s32 s21, $0xFC;
	v5 =	vld [tilespmem:s17+$0xFFFFFFD0];
	[tilespmem:s18+$0x1040 ss:$0x41] =	vst.msk $0xffff, v4  }
0x41: {  	v6 =	vld [tilespmem:s17+$0xFFFFFFE0];
	[tilespmem:s18+$0x1450 ss:$0x41] =	vst.msk $0xffff, v3  }
0x42: {  	s22 =	sshra.s32 s20, $0x2;
	s20 =	smov.u32 s21;
	v7 =	vld [tilespmem:s17+$0xFFFFFFF0];
	[tilespmem:s18+$0x1860 ss:$0x41] =	vst.msk $0xffff, v2  }
.Ltmp3:
0x43: {  	v4 =	vld [tilespmem:s17+$0x0];
	[tilespmem:s18+$0x0 ss:$0x41] =	vst.msk $0xffff, v1;
	s18 =	sadd.s32 s22, s19;
	(pc) =	sbr.rel @p1 .LBB1_3-.Ltmp3, $4  }
0x44: {  	v3 =	vld [tilespmem:s17+$0x10];
	[tilespmem:s18+$0x1C70 ss:$0x41] =	vst.msk $0xffff, v0  }
0x45: {  	[tilespmem:s18+$0x410 ss:$0x41] =	vst.msk $0xffff, v5;
	v2 =	vld [tilespmem:s17+$0x20]  }
0x46: {  	v1 =	vld [tilespmem:s17+$0xFFFFFFC0];
	[tilespmem:s18+$0x820 ss:$0x41] =	vst.msk $0xffff, v6;
	s17 =	sadd.s32 $0x80, s17  }
0x47: {  	s21 =	sadd.s32 $0x4, s21;
	v0 =	vld [tilespmem:s17+$0x30];
	[tilespmem:s18+$0xC30 ss:$0x41] =	vst.msk $0xffff, v7  }
0x48: {  	s21 =	sshll.u32 s9, $0x7;
	s22 =	sshll.u32 s10, $0x3;
	s20 =	sshra.s32 s20, $0x2  }
0x49: {  	p1 =	sgt.s32 s9, $0xF41C0;
	s30 =	sshra.s32 s9, $0x1F;
	s25 =	sshra.s32 s10, $0x1F  }
0x4a: {  	v5 =	vld [tilespmem:s17+$0xFFFFFFD0];
	s28 =	sshrl.u32 s10, $0x3;
	s23 =	sand.u32 $0xFFFFFC00, s21;
	s22 =	sand.u32 $0xFFFFFC00, s22  }
0x4b: {  	[tilespmem:s18+$0x1040 ss:$0x41] =	vst.msk $0xffff, v4;
	v58 =	vld [tilespmem:s17+$0xFFFFFFE0];
	s21 =	sand.u32 $0x380, s21;
	s19 =	sadd.s32 s20, s19;
	s22 =	sadd.s32 s22, s23  }
0x4c: {  	v59 =	vld [tilespmem:s17+$0xFFFFFFF0];
	[tilespmem:s18+$0x1450 ss:$0x41] =	vst.msk $0xffff, v3;
	s29 =	sor.u32 s21, s22;
	s21 =	smov.u32 s9;
	s22 =	sand.u32 s30, s9  }
0x4d: {  	v60 =	vld [tilespmem:s17+$0x0];
	[tilespmem:s18+$0x1860 ss:$0x41] =	vst.msk $0xffff, v2;
	s30 =	sand.u32 $0x7, s10;
	s20 =	sshrl.u32 s29, $0x7;
	s21 =	simm.s32 @!p1 $0xF41C0  }
0x4e: {  	v61 =	vld [tilespmem:s17+$0x10];
	[tilespmem:s18+$0x0 ss:$0x41] =	vst.msk $0xffff, v1;
	p1 =	sgt.s32 s10, $0x40;
	s24 =	ssub.s32 s21, s22;
	s21 =	smov.u32 s10  }
0x4f: {  	v62 =	vld [tilespmem:s17+$0x20];
	[tilespmem:s19+$0x1C70 ss:$0x41] =	vst.msk $0xffff, v0;
	s31 =	smulhi.u32 $0x218DEF5, s20;
	s22 =	sand.u32 s25, s10;
	s21 =	simm.s32 @!p1 $0x40  }
0x50: {  	v63 =	vld [tilespmem:s17+$0xFFFFFFC0];
	[tilespmem:s19+$0x410 ss:$0x41] =	vst.msk $0xffff, v5;
	s26 =	sadd.s32 $0xFFF0BE40, s24;
	s17 =	ssub.s32 $0xF4240, s24;
	s21 =	ssub.s32 s21, s22  }
0x51: {  	[tilespmem:s19+$0x820 ss:$0x41] =	vst.msk $0xffff, v58;
	s23 =	sshrl.u32 s31, $0xD;
	p1 =	sgt.s32 s26, $0x7F;
	s27 =	sadd.s32 $0xFFFFFFC0, s21  }
0x52: {  	[tilespmem:s19+$0xC30 ss:$0x41] =	vst.msk $0xffff, v59;
	s23 =	smul.u32 $0xF4240, s23;
	s18 =	ssub.s32 $0x80, s21;
	p2 =	sgt.s32 s27, $0x3F  }
.Ltmp4:
0x53: {  	[tilespmem:s19+$0x1040 ss:$0x41] =	vst.msk $0xffff, v60;
	s17 =	simm.s32 @p1 $0x0;
	s18 =	simm.s32 @p2 $0x0;
	(pc) =	sbr.rel .LBB1_5-.Ltmp4, $4  }
0x54: {  	s29 =	sand.u32 $0xF, s28;
	[tilespmem:s19+$0x1450 ss:$0x41] =	vst.msk $0xffff, v61;
	s20 =	ssub.s32 s20, s23;
	s17 =	smul.u32 s18, s17  }
0x55: {  	[tilespmem:s19+$0x1860 ss:$0x41] =	vst.msk $0xffff, v62;
	s21 =	sshll.u32 s30, $0x12;
	s20 =	sshll.u32 s20, $0x4;
	s18 =	sadd.s32 s5, s29  }
0x56: {  	[tilespmem:s19+$0x0 ss:$0x41] =	vst.msk $0xffff, v63;
	s31 =	sor.u32 $0x40, s21;
	s18 =	sadd.s32 s20, s18;
	s17 =	sand.u32 $0x3FFFFFFF, s17  }
0x57: {  	[hbm4b:s18+s31] =	stream.strided.scatter [tilespmem:s16], [sflag:$0x2], s17, s8, s31, $0x18;
	[tilespmem:$0x8100] =	vst v63  }
.LBB1_6:
0x58: {  	_ =	sfence.sel $0x180000  }
0x59: {  	s2 =	simm.s32 $0x1;
	[bflag:$0x0] =	sbarrier.arrive $0xFFFF  }
0x5a: {  	s31 =	simm.s32 $0x2;
	[sflag:s2] =	ssyncpa.u1 $0x1  }
0x5b: {  	[sflag:s31] =	ssyncpa.u1 $0x1  }
0x5c: {  	p0 =	sne.s32 s1, $0x0;
	_ =	strace $0x90000047  }
0x5d: {  	s0 =	sadd.s32 @!p0 $0x100000, s0;
	[bflag:$0x2] =	sbarrier.arrive $0xFFFF  }
0x5e: {  	[sflag:s0] =	ssyncadd.tile.s32 @!p0 $0x1;
	_ =	shalt  }
.Lfunc_end1:
_tile_overlayer_lowered:
.L_overlay_start_2:
0x5f: {  	(tag) =	ssettag $0x2  }
0x60: {  	s0 =	rddreg [dreg:$0x0];
	s2 =	stileid.u32  }
0x61: {  	s1 =	rddreg [dreg:$0x1];
	p0 =	sne.s32 s2, $0x0  }
0x62: {  	s3 =	rddreg [dreg:$0x2];
	[bflag:$0x3] =	sbarrier.arrive $0xFFFF;
	s2 =	simm.s32 @!p0 $0x1C01  }
0x63: {  	[timem:s3], [sflag:s2] =	dma.local @!p0 [hbm:s0], s1  }
0x64: {  	s0 =	simm.s32 @!p0 $0x1  }
0x65: {  	_ =	swait.ge @!p0 [sflag:s0], s1  }
0x66: {  	s1 =	ssub.s32 @!p0 $0x0, s1;
	[sflag:s0] =	ssyncset.done @!p0 $0x0  }
0x67: {  	[sflag:s0] =	ssyncadd.s32 @!p0 s1  }
0x68: {  	[bflag:$0x3] =	sbarrier.arrive $0xFFFF  }
0x69: {  	_ =	shalt  }

// kernel: sparse-core-data-format-call.cloned.1.call-start
scs
called_computation_lowered:
.L_overlay_start_0:
0x0: {  	s2 =	sld [smem:$0x3FD9]  }
0x1: {  	s3 =	sld [smem:$0x3FFE];
	_ =	sdelay $0x1  }
0x2: {  	s1 =	srdreg.scid  }
0x3: {  	s0 =	sand.u32 $0x1, s1  }
0x4: {  	s18 =	sshll.u32 s0, $0xA;
	s2 =	sadd.s32 s3, s2  }
0x5: {  	s2 =	sadd.s32 s2, s18  }
0x6: {  	[smem:$0x3FC6] =	sst s2  }
0x7: {  	_ = 	snop  }
0x8: {  	s2 =	sld [smem:$0x3FD0];
	(tm) =	ssettm $0x1  }
0x9: {  	s19 =	sld [smem:$0x3FFB];
	_ =	sdelay $0x3  }
0xa: {  	_ =	strace s19  }
0xb: {  	s3 =	sld [smem:$0x3FFC];
	_ =	sdelay $0x3  }
0xc: {  	_ =	strace s3  }
0xd: {  	s3 =	sld [smem:$0x3FFD];
	_ =	sdelay $0x3  }
0xe: {  	_ =	strace s3  }
0xf: {  	_ =	strace $0x8FFFFFFF  }
0x10: {  	s20 =	sld [smem:$0x3FDB];
	_ =	sdelay $0x1  }
0x11: {  	s4 =	simm.s32 $_scs_section_size  }
0x12: {  	s5 =	simm.s32 $_size__tile_overlayer_lowered;
	s6 =	simm.s32 $_tile_overlayer_lowered  }
0x13: {  	s23 =	simm.s32 $0x1BFF;
	s22 =	sshll.u32 s6, $0x1;
	s3 =	sadd.s32 s4, s20  }
0x14: {  	s7 =	simm.s32 $0x0;
	s21 =	sshll.u32 s5, $0x1;
	s5 =	sadd.s32 s22, s3  }
0x15: {  	[timem:s7], [sflag:s23] =	dma.local [hbm:s5], s21  }
0x16: {  	_ =	swait.ge [sflag:s23], s21  }
0x17: {  	s4 =	ssub.s32 $0x0, s21;
	[sflag:s23] =	ssyncset.done $0x0  }
0x18: {  	[sflag:s23] =	ssyncadd.s32 s4;
	_ =	sdelay $0x1  }
0x19: {  	s24 =	simm.s32 $0x1B8B  }
0x1a: {  	_ =	swait.ge [sflag:s24], $0x1  }
0x1b: {  	[sflag:s24] =	ssyncset.done $0x0  }
0x1c: {  	s26 =	simm.s32 $0x1B8E;
	s25 =	sld [smem:$0x3FFE];
	[sflag:s24] =	ssyncadd.s32 $0xFFFFFFFF  }
0x1d: {  	s27 =	simm.s32 $execute0_lowered;
	[smem:$0x3FD2] =	sst s26  }
0x1e: {  	s5 =	sshll.u32 s27, $0x1;
	_ =	strace $0x8000004C;
	[dreg:$0x1] =	wrdreg $0xFFFFFFFF  }
0x1f: {  	s28 =	simm.s32 $_size_execute0_lowered;
	s3 =	sadd.s32 s3, s5;
	[dreg:$0x0] =	wrdreg $0x0  }
0x20: {  	s5 =	sshll.u32 s28, $0x1;
	[dreg:$0x2] =	wrdreg s3  }
0x21: {  	[dreg:$0x3] =	wrdreg s5  }
0x22: {  	[dreg:$0x4] =	wrdreg $0xC0  }
0x23: {  	_ =	task [dreg:s7], $0x5FFFF  }
0x24: {  	[dreg:$0x1] =	wrdreg $0xFFFFFFFF  }
0x25: {  	[dreg:$0x0] =	wrdreg $0x60  }
0x26: {  	[dreg:$0x2] =	wrdreg s25  }
0x27: {  	[dreg:$0x3] =	wrdreg s2  }
0x28: {  	[dreg:$0x4] =	wrdreg $0x9  }
0x29: {  	_ =	task.clear_ibuf [dreg:s7], $0x5FFFF;
	_ =	strace $0x9000004C  }
0x2a: {  	s29 =	simm.s32 $0x9;
	_ =	strace $0x8000004E  }
0x2b: {  	_ =	swait.ge [sflag:s29], $0x1  }
0x2c: {  	[sflag:s29] =	ssyncadd.s32 $0xFFFFFFFF  }
0x2d: {  	_ =	strace $0x9000004E  }
0x2e: {  	_ =	sfence  }
0x2f: {  	s30 =	sld [smem:$0x0];
	_ =	sdelay $0x2  }
0x30: {  	s31 =	sshll.u32 s1, $0xD;
	s1 =	sshrl.u32 s1, $0x2  }
0x31: {  	s3 =	sand.u32 $0x4000, s31;
	s1 =	sadd.s32 s1, s30  }
0x32: {  	s0 =	sor.u32 s3, s0;
	s1 =	sshll.u32 s1, $0x11  }
0x33: {  	s0 =	sor.u32 s1, s0  }
0x34: {  	s0 =	sadd.s32 $0x8F2B, s0  }
0x35: {  	[sflag:s0] =	ssyncadd.remote.s32 $0x1  }
0x36: {  	_ =	sfence.sel $0xFFFF  }
0x37: {  	[dreg:$0x0] =	wrdreg $0xFFFFFFFF;
	(pc) =	sbr.abs _section_cstart, $3  }
0x38: {  	[dreg:$0x1] =	wrdreg $0xFFFFFFFF  }
0x39: {  	_ =	task.clear_ibuf [dreg:s7], $0x2FFFF;
	_ =	strace $0x9FFFFFFF  }
0x3a: {  	(tm) =	ssettm $0x7FFFFFFF  }
0x3b: {  	_ =	shalt  }
tec
execute0_lowered:
.L_overlay_start_1:
0x0: {  	(tag) =	ssettag $0x1  }
0x1: {  	s0 =	srdreg.scid  }
0x2: {  	s1 =	sshll.u32 s0, $0x4  }
0x3: {  	s5 =	rddreg [dreg:$0x0];
	s0 =	stileid.u32;
	s1 =	sand.u32 $0x10, s1  }
0x4: {  	s3 =	rddreg [dreg:$0x1];
	s31 =	simm.s32 $0x2;
	s4 =	sor.u32 s0, s1  }
0x5: {  	s13 =	simm.s32 $0x0;
	s9 =	simm.s32 $0x400;
	s2 =	sshll.u32 s4, $0x7  }
0x6: {  	s10 =	simm.s32 $0x8000;
	s14 =	simm.s32 $0x0;
	s6 =	ssub.s32 $0x1000, s2  }
0x7: {  	s1 =	rddreg [dreg:$0x2];
	_ =	strace $0x8000004D;
	s7 =	sand.u32 $0xF80, s6  }
0x8: {  	s4 =	sshll.u32 s4, $0xB;
	p0 =	sne.s32 s7, $0x0;
	s7 =	simm.s32 $0x1  }
.Ltmp0:
0x9: {  	s6 =	sshrl.u32 s6, $0xC;
	s7 =	simm.s32 @!p0 $0x0;
	(pc) =	sbr.rel .LBB1_1-.Ltmp0, $4  }
0xa: {  	s8 =	sadd.s32 s4, s5;
	s4 =	simm.s32 $0x1;
	s30 =	sadd.s32 s7, s6  }
0xb: {  	s11 =	simm.s32 $0x0;
	[sflag:s4] =	ssyncpa.u1 $0x0;
	s5 =	smul.u32 $0x64, s30  }
0xc: {  	s12 =	simm.s32 $0x0;
	[sflag:s31] =	ssyncpa.u1 $0x0;
	p0 =	por $0x0, $0x0  }
0xd: {  	s6 =	sadd.s32 $0xE00, s8;
	s7 =	sadd.s32 $0x10E00, s8;
	s8 =	sor.u32 $0x1, s5  }
.LBB1_7:
0xe: {  	s15 =	sadd.s32 $0x2, s11  }
0xf: {  	p2 =	sgt.s32 s15, $0xC7  }
0x10: {  	s15 =	simm.s32 @p2 $0x0;
	p2 =	sne.s32 s12, s8  }
.Ltmp1:
0x11: {  	p1 =	slt.u32 s12, $0x2;
	(pc) =	sbr.rel @!p2 .LBB1_8-.Ltmp1, $4  }
0x12: {  	s13 =	simm.s32 @!p1 $0x2  }
0x13: {  	s16 =	sadd.s32 $0x1, s12;
	s14 =	smov.u32 s11;
	_ =	swait.ge @!p1 [sflag:s13], $0x4000  }
0x14: {  	p0 =	por !p0, !p0;
	s12 =	smov.u32 s16;
	[sflag:s13] =	ssyncset.done @!p1 $0x0  }
0x15: {  	s11 =	smov.u32 s15;
	[sflag:s13] =	ssyncadd.s32 @!p1 $0xFFFFC000;
	s13 =	smov.u32 s2  }
.LBB1_1:
0x16: {  	p1 =	sge.u32 s12, s5  }
0x17: {  	s15 =	sxor.u32 @!p1 $0xFFFFFFFF, s12  }
0x18: {  	s16 =	sshll.u32 @!p1 s11, $0x10;
	s18 =	simm.s32 @!p1 $0x40;
	s15 =	sshll.u32 @!p1 s15, $0xE  }
0x19: {  	s19 =	simm.s32 @!p1 $0x80;
	s17 =	sadd.s32 @!p1 s16, s6;
	s15 =	sand.u32 @!p1 $0x4000, s15  }
0x1a: {  	[tilespmem:s15], [sflag:$0x1] =	stream.strided.gather @!p1 [hbm4b:s17+s18], $0x2000, s19, s18, $0x38;
	[tilespmem:$0x10100] =	vst v63  }
0x1b: {  	s31 =	sadd.s32 $0xFFFFFFFF, s12;
	s16 =	sadd.s32 @!p1 s16, s7;
	s15 =	sor.u32 @!p1 $0x2000, s15  }
0x1c: {  	[tilespmem:s15], [sflag:$0x1] =	stream.strided.gather @!p1 [hbm4b:s16+s18], $0x2000, s19, s18, $0x38;
	[tilespmem:$0x10100] =	vst v63  }
0x1d: {  	p1 =	sge.u32 s31, s5  }
.Ltmp2:
0x1e: {  	_ = 	snop;
	(pc) =	sbr.rel @p1 .LBB1_7-.Ltmp2, $1  }
0x1f: {  	_ =	sdelay $0x3  }
0x20: {  	s15 =	simm.s32 $0x1;
	s17 =	sand.u32 $0x1, s12  }
0x21: {  	_ =	swait.ge [sflag:s4], $0x4000;
	s15 =	simm.s32 @!p0 $0x0;
	s17 =	smul.u32 $0x10200, s17  }
0x22: {  	p2 =	por $0x1, $0x1;
	[sflag:s4] =	ssyncset.done $0x0;
	s16 =	smul.u32 $0x10200, s15  }
0x23: {  	s18 =	sshll.u32 s15, $0x10;
	[sflag:s4] =	ssyncadd.s32 $0xFFFFC000;
	s30 =	sshrl.u32 s17, $0x2  }
0x24: {  	s31 =	sshrl.u32 s18, $0x2;
	s18 =	simm.s32 $0x0;
	s16 =	sshrl.u32 s16, $0x2  }
0x25: {  	s15 =	sor.u32 $0x8000, s30;
	s17 =	sadd.s32 $0x20, s31;
	s16 =	sor.u32 $0x8000, s16  }
.LBB1_3:
0x26: {  	s19 =	sshll.u32 s18, $0xD  }
0x27: {  	s19 =	sand.u32 $0x3FFFE000, s19  }
0x28: {  	s21 =	sadd.s32 s19, s17  }
0x29: {  	s31 =	smul.u32 $0x8100, s18;
	v3 =	vld [tilespmem:s21+$0x10]  }
0x2a: {  	v1 =	vld [tilespmem:s21+$0xFFFFFFF0]  }
0x2b: {  	s18 =	sshra.s32 s31, $0x2;
	v0 =	vld [tilespmem:s21+$0x0]  }
0x2c: {  	s18 =	sadd.s32 s18, s16;
	v2 =	vld [tilespmem:s21+$0xFFFFFFE0]  }
0x2d: {  	s19 =	sadd.s32 $0x0, s18  }
0x2e: {  	p1 =	por p2, p2;
	s20 =	simm.s32 $0x4;
	s21 =	sadd.s32 $0x40, s21;
	[tilespmem:s19+$0x1830 ss:$0x81] =	vst.msk $0xffff, v3  }
.LBB1_4:
0x2f: {  	v3 =	vld [tilespmem:s21+$0x10];
	p2 =	sne.s32 s20, $0x1FC;
	[tilespmem:s19+$0x810 ss:$0x81] =	vst.msk $0xffff, v1;
	s22 =	smov.u32 s20;
	s20 =	sadd.s32 $0x4, s20  }
.Ltmp3:
0x30: {  	v1 =	vld [tilespmem:s21+$0xFFFFFFF0];
	[tilespmem:s19+$0x1020 ss:$0x81] =	vst.msk $0xffff, v0;
	(pc) =	sbr.rel @p2 .LBB1_4-.Ltmp3, $4  }
0x31: {  	v0 =	vld [tilespmem:s21+$0x0];
	[tilespmem:s19+$0x0 ss:$0x81] =	vst.msk $0xffff, v2  }
0x32: {  	s19 =	sshra.s32 s22, $0x2;
	v2 =	vld [tilespmem:s21+$0xFFFFFFE0]  }
0x33: {  	s19 =	sadd.s32 s19, s18  }
0x34: {  	s21 =	sadd.s32 $0x40, s21;
	[tilespmem:s19+$0x1830 ss:$0x81] =	vst.msk $0xffff, v3  }
.Ltmp4:
0x35: {  	(pc) =	sbr.rel @p1 .LBB1_3-.Ltmp4, $4  }
0x36: {  	_ = 	snop  }
0x37: {  	[tilespmem:s19+$0x810 ss:$0x81] =	vst.msk $0xffff, v1  }
0x38: {  	[tilespmem:s19+$0x1020 ss:$0x81] =	vst.msk $0xffff, v0  }
0x39: {  	s18 =	simm.s32 $0x1;
	p2 =	por $0x0, $0x0;
	[tilespmem:s19+$0x0 ss:$0x81] =	vst.msk $0xffff, v2  }
.Ltmp5:
0x3a: {  	(pc) =	sbr.rel .LBB1_7-.Ltmp5, $4  }
0x3b: {  	s14 =	sshll.u32 s14, $0xF  }
0x3c: {  	s14 =	sadd.s32 s3, s14  }
0x3d: {  	s13 =	sadd.s32 s13, s14  }
0x3e: {  	[hbm4b:s13+s9] =	stream.strided.scatter [tilespmem:s15], [sflag:$0x2], $0x4000, s10, s9, $0x20;
	[tilespmem:$0x10100] =	vst v63  }
.LBB1_8:
0x3f: {  	_ =	sfence.sel $0x180000  }
0x40: {  	s2 =	simm.s32 $0x1;
	[bflag:$0x0] =	sbarrier.arrive $0xFFFF  }
0x41: {  	s31 =	simm.s32 $0x2;
	[sflag:s2] =	ssyncpa.u1 $0x1  }
0x42: {  	[sflag:s31] =	ssyncpa.u1 $0x1  }
0x43: {  	p0 =	sne.s32 s0, $0x0;
	_ =	strace $0x9000004D  }
0x44: {  	s0 =	sadd.s32 @!p0 $0x100000, s1;
	[bflag:$0x2] =	sbarrier.arrive $0xFFFF  }
0x45: {  	[sflag:s0] =	ssyncadd.tile.s32 @!p0 $0x1;
	_ =	shalt  }
.Lfunc_end1:
_tile_overlayer_lowered:
.L_overlay_start_2:
0x46: {  	(tag) =	ssettag $0x2  }
0x47: {  	s0 =	rddreg [dreg:$0x0];
	s2 =	stileid.u32  }
0x48: {  	s1 =	rddreg [dreg:$0x1];
	p0 =	sne.s32 s2, $0x0  }
0x49: {  	s3 =	rddreg [dreg:$0x2];
	[bflag:$0x3] =	sbarrier.arrive $0xFFFF;
	s2 =	simm.s32 @!p0 $0x1C01  }
0x4a: {  	[timem:s3], [sflag:s2] =	dma.local @!p0 [hbm:s0], s1  }
0x4b: {  	s0 =	simm.s32 @!p0 $0x1  }
0x4c: {  	_ =	swait.ge @!p0 [sflag:s0], s1  }
0x4d: {  	s1 =	ssub.s32 @!p0 $0x0, s1;
	[sflag:s0] =	ssyncset.done @!p0 $0x0  }
0x4e: {  	[sflag:s0] =	ssyncadd.s32 @!p0 s1  }
0x4f: {  	[bflag:$0x3] =	sbarrier.arrive $0xFFFF  }
0x50: {  	_ =	shalt  }

</sc_bundles>
